<compile_context>
chip_gen: v7x
topology: tpu7x:2x2x1
jax: 0.10.2.dev20260603
libtpu: 0.0.44.dev20260713+nightly
codegen_flags: <defaults>
</compile_context>

<pallas_src>
import math

import jax
import jax.numpy as jnp
from jax import lax
from jax.experimental import pallas as pl
from jax.experimental.pallas import tpu as pltpu
from jax.experimental.pallas import tpu_sc as plsc

_VOCAB = 1000000
_HIDDEN = 64
_B = 1024
_L = 200
_SCALE = math.sqrt(_HIDDEN)

_NC = 2
_NS = 16
_NW = _NC * _NS
_SEQ_PER_W = _B // _NW

_IA = 104
_IB = 96


def _body(source_hbm, token_hbm, pos_hbm, out_hbm,
          pos_v, idx_a, idx_b, tok, obuf, gsem, osem):
  wid = lax.axis_index("s") * _NC + lax.axis_index("c")

  pltpu.sync_copy(pos_hbm.at[pl.ds(0, _L)], pos_v)

  def start_gather(k, s):
    base = pl.multiple_of((wid * _SEQ_PER_W + s) * _L, 8)
    pltpu.sync_copy(source_hbm.at[pl.ds(base, _IA)], idx_a[k])
    pltpu.sync_copy(source_hbm.at[pl.ds(base + _IA, _IB)], idx_b[k])
    pltpu.async_copy(token_hbm.at[idx_a[k]], tok[k].at[pl.ds(0, _IA)], gsem[k])
    pltpu.async_copy(token_hbm.at[idx_b[k]], tok[k].at[pl.ds(_IA, _IB)], gsem[k])

  def wait_gather(k):
    pltpu.make_async_copy(token_hbm.at[idx_a[k]], tok[k].at[pl.ds(0, _IA)],
                          gsem[k]).wait()
    pltpu.make_async_copy(token_hbm.at[idx_b[k]], tok[k].at[pl.ds(_IA, _IB)],
                          gsem[k]).wait()

  def compute(k):
    tk, ob = tok[k], obuf[k]

    def row_body(r2, carry):
      for dr in range(2):
        r = r2 * 2 + dr
        for c in range(_HIDDEN // 16):
          sl = pl.ds(c * 16, 16)
          ob[r, sl] = tk[r, sl] * _SCALE + pos_v[r, sl]
      return carry

    lax.fori_loop(0, _L // 2, row_body, 0)

  def start_out(k, s):
    pltpu.async_copy(obuf[k], out_hbm.at[wid * _SEQ_PER_W + s], osem[k])

  def wait_out(k, s):
    pltpu.make_async_copy(obuf[k], out_hbm.at[wid * _SEQ_PER_W + s],
                          osem[k]).wait()

  start_gather(0, 0)
  start_gather(1, 1)
  wait_gather(0)
  compute(0)
  start_out(0, 0)
  start_gather(0, 2)
  wait_gather(1)
  compute(1)
  start_out(1, 1)
  start_gather(1, 3)

  def pair_body(i, carry):
    for k in range(2):
      s = 2 * i + k
      wait_gather(k)
      wait_out(k, s - 2)
      compute(k)
      start_out(k, s)

      @pl.when(i < _SEQ_PER_W // 2 - 1)
      def _():
        start_gather(k, s + 2)

    return carry

  lax.fori_loop(1, _SEQ_PER_W // 2, pair_body, 0)
  wait_out(0, _SEQ_PER_W - 2)
  wait_out(1, _SEQ_PER_W - 1)


@jax.jit
def kernel(source, token_table, pos_table):
  mesh = plsc.VectorSubcoreMesh(core_axis_name="c", subcore_axis_name="s",
                                num_cores=_NC, num_subcores=_NS)
  run = pl.kernel(
      _body,
      out_type=jax.ShapeDtypeStruct((_B, _L, _HIDDEN), jnp.float32),
      mesh=mesh,
      scratch_types=[
          pltpu.VMEM((_L, _HIDDEN), jnp.float32),
          [pltpu.VMEM((_IA,), jnp.int32)] * 2,
          [pltpu.VMEM((_IB,), jnp.int32)] * 2,
          [pltpu.VMEM((_L, _HIDDEN), jnp.float32)] * 2,
          [pltpu.VMEM((_L, _HIDDEN), jnp.float32)] * 2,
          [pltpu.SemaphoreType.DMA] * 2,
          [pltpu.SemaphoreType.DMA] * 2,
      ],
      compiler_params=pltpu.CompilerParams(use_tc_tiling_on_sc=False),
  )
  return run(source.reshape(-1), token_table, pos_table)

# --- scband reference (transcript-rebuilt; emitter-appended) ---
"""Pipeline reference for scband-embeddings-31911607009576 (READ-ONLY COPY).

The authoritative reference and input builder live on the scoring server;
editing this copy changes nothing except your own understanding.
"""

import jax, jax.numpy as jnp
import numpy as np
import math

VOCAB = 1000000
HIDDEN = 64
MAX_LEN = 2048
B = 1024
L = 200

def setup_inputs(seed: int = 0) -> dict:
    key = jax.random.key(seed)
    k1, k2, k3 = jax.random.split(key, 3)
    source = jax.random.randint(k1, (B, L), 0, VOCAB, dtype=jnp.int64 if jax.config.jax_enable_x64 else jnp.int32).astype(jnp.int32)
    token_table = jax.random.normal(k2, (VOCAB, HIDDEN), dtype=jnp.float32) * 0.02
    pos_table = jax.random.normal(k3, (MAX_LEN, HIDDEN), dtype=jnp.float32) * 0.02
    return {"source": source, "token_table": token_table, "pos_table": pos_table}

def reference(source, token_table, pos_table):
    # token embedding lookup scaled by sqrt(hidden_dim)
    token_embed = jnp.take(token_table, source, axis=0) * math.sqrt(HIDDEN)
    # learned positional embedding lookup: positions = arange(L) broadcast over batch
    positions = jnp.arange(source.shape[1])
    pos_embed = jnp.take(pos_table, positions, axis=0)  # [L, HIDDEN]
    return token_embed + pos_embed[None, :, :]

if __name__ == "__main__":
    import jax
    _d = setup_inputs()
    print(jax.jit(kernel)(*tuple(_d.values())))

</pallas_src>

<mosaic_0001>
#map = affine_map<(d0, d1) -> (0)>
#map1 = affine_map<(d0, d1) -> (0, 0)>
#map2 = affine_map<(d0, d1) -> (0, 0, 0)>
module attributes {stable_mosaic.version = 14 : i64} {
  func.func @_body(%arg0: i32, %arg1: i32, %arg2: memref<204800xi32, #tpu.memory_space<hbm>>, %arg3: memref<1000000x64xf32, #tpu.memory_space<hbm>>, %arg4: memref<2048x64xf32, #tpu.memory_space<hbm>>, %arg5: memref<1024x200x64xf32, #tpu.memory_space<hbm>>, %arg6: memref<200x64xf32, #tpu.memory_space<vmem>>, %arg7: memref<104xi32, #tpu.memory_space<vmem>>, %arg8: memref<104xi32, #tpu.memory_space<vmem>>, %arg9: memref<96xi32, #tpu.memory_space<vmem>>, %arg10: memref<96xi32, #tpu.memory_space<vmem>>, %arg11: memref<200x64xf32, #tpu.memory_space<vmem>>, %arg12: memref<200x64xf32, #tpu.memory_space<vmem>>, %arg13: memref<200x64xf32, #tpu.memory_space<vmem>>, %arg14: memref<200x64xf32, #tpu.memory_space<vmem>>, %arg15: memref<!tpu.dma_semaphore, #tpu.memory_space<semaphore_mem>>, %arg16: memref<!tpu.dma_semaphore, #tpu.memory_space<semaphore_mem>>, %arg17: memref<!tpu.dma_semaphore, #tpu.memory_space<semaphore_mem>>, %arg18: memref<!tpu.dma_semaphore, #tpu.memory_space<semaphore_mem>>) attributes {dimension_semantics = [#tpu.dimension_semantics<core_parallel>, #tpu.dimension_semantics<subcore_parallel>], iteration_bounds = array<i64: 2, 16>, scalar_prefetch = 0 : i64, scratch_operands = 13 : i64, tpu.core_type = #tpu.core_type<sc_vector_subcore>, window_params = [{transform_indices = #map}, {transform_indices = #map1}, {transform_indices = #map1}, {transform_indices = #map2}]} {
    %mul3A = arith.constant 2 : i32
    %mul3A_0 = arith.muli %arg1, %mul3A : i32
    %add3A = arith.addi %mul3A_0, %arg0 : i32
    "tpu.region"() ({
      %run_scoped3A = tpu.sem_alloc : memref<!tpu.dma_semaphore, #tpu.memory_space<semaphore_mem>>
      %dma_start3A_171 = arith.constant 0 : i32
      %dma_start3A_172 = arith.constant 0 : i32
      %dma_start3A_173 = tpu.memref_slice %arg4[%dma_start3A_171, %dma_start3A_172] : memref<2048x64xf32, #tpu.memory_space<hbm>> -> memref<200x64xf32, #tpu.memory_space<hbm>>
      %dma_start3A_174 = arith.constant 0 : i32
      %dma_start3A_175 = arith.constant 0 : i32
      %dma_start3A_176 = tpu.memref_slice %arg4[%dma_start3A_174, %dma_start3A_175] : memref<2048x64xf32, #tpu.memory_space<hbm>> -> memref<200x64xf32, #tpu.memory_space<hbm>>
      tpu.enqueue_dma source(%dma_start3A_176 : memref<200x64xf32, #tpu.memory_space<hbm>>) target(%arg6 : memref<200x64xf32, #tpu.memory_space<vmem>>) target_semaphore(%run_scoped3A : memref<!tpu.dma_semaphore, #tpu.memory_space<semaphore_mem>>)
      %dma_wait3A_177 = arith.constant 0 : i32
      %dma_wait3A_178 = arith.constant 0 : i32
      %dma_wait3A_179 = tpu.memref_slice %arg4[%dma_wait3A_177, %dma_wait3A_178] : memref<2048x64xf32, #tpu.memory_space<hbm>> -> memref<200x64xf32, #tpu.memory_space<hbm>>
      %dma_wait3A_180 = arith.constant 0 : i32
      %dma_wait3A_181 = arith.constant 0 : i32
      %dma_wait3A_182 = tpu.memref_slice %arg4[%dma_wait3A_180, %dma_wait3A_181] : memref<2048x64xf32, #tpu.memory_space<hbm>> -> memref<200x64xf32, #tpu.memory_space<hbm>>
      tpu.wait_dma2 semaphore(%run_scoped3A : memref<!tpu.dma_semaphore, #tpu.memory_space<semaphore_mem>>) src(%dma_wait3A_182 : memref<200x64xf32, #tpu.memory_space<hbm>>) dst(%arg6 : memref<200x64xf32, #tpu.memory_space<vmem>>)
      tpu.yield
    }) : () -> ()
    %mul3A_1 = arith.constant 32 : i32
    %mul3A_2 = arith.muli %add3A, %mul3A_1 : i32
    %add3A_3 = arith.constant 0 : i32
    %add3A_4 = arith.addi %mul3A_2, %add3A_3 : i32
    %mul3A_5 = arith.constant 200 : i32
    %mul3A_6 = arith.muli %add3A_4, %mul3A_5 : i32
    %multiple_of3A = tpu.assume_multiple %mul3A_6, 8 : i32
    "tpu.region"() ({
      %run_scoped3A = tpu.sem_alloc : memref<!tpu.dma_semaphore, #tpu.memory_space<semaphore_mem>>
      %dma_start3A_171 = tpu.memref_slice %arg2[%multiple_of3A] : memref<204800xi32, #tpu.memory_space<hbm>> -> memref<104xi32, #tpu.memory_space<hbm>>
      %dma_start3A_172 = tpu.memref_slice %arg2[%multiple_of3A] : memref<204800xi32, #tpu.memory_space<hbm>> -> memref<104xi32, #tpu.memory_space<hbm>>
      tpu.enqueue_dma source(%dma_start3A_172 : memref<104xi32, #tpu.memory_space<hbm>>) target(%arg7 : memref<104xi32, #tpu.memory_space<vmem>>) target_semaphore(%run_scoped3A : memref<!tpu.dma_semaphore, #tpu.memory_space<semaphore_mem>>)
      %dma_wait3A_173 = tpu.memref_slice %arg2[%multiple_of3A] : memref<204800xi32, #tpu.memory_space<hbm>> -> memref<104xi32, #tpu.memory_space<hbm>>
      %dma_wait3A_174 = tpu.memref_slice %arg2[%multiple_of3A] : memref<204800xi32, #tpu.memory_space<hbm>> -> memref<104xi32, #tpu.memory_space<hbm>>
      tpu.wait_dma2 semaphore(%run_scoped3A : memref<!tpu.dma_semaphore, #tpu.memory_space<semaphore_mem>>) src(%dma_wait3A_174 : memref<104xi32, #tpu.memory_space<hbm>>) dst(%arg7 : memref<104xi32, #tpu.memory_space<vmem>>)
      tpu.yield
    }) : () -> ()
    %add3A_7 = arith.constant 104 : i32
    %add3A_8 = arith.addi %multiple_of3A, %add3A_7 : i32
    "tpu.region"() ({
      %run_scoped3A = tpu.sem_alloc : memref<!tpu.dma_semaphore, #tpu.memory_space<semaphore_mem>>
      %dma_start3A_171 = tpu.memref_slice %arg2[%add3A_8] : memref<204800xi32, #tpu.memory_space<hbm>> -> memref<96xi32, #tpu.memory_space<hbm>>
      %dma_start3A_172 = tpu.memref_slice %arg2[%add3A_8] : memref<204800xi32, #tpu.memory_space<hbm>> -> memref<96xi32, #tpu.memory_space<hbm>>
      tpu.enqueue_dma source(%dma_start3A_172 : memref<96xi32, #tpu.memory_space<hbm>>) target(%arg9 : memref<96xi32, #tpu.memory_space<vmem>>) target_semaphore(%run_scoped3A : memref<!tpu.dma_semaphore, #tpu.memory_space<semaphore_mem>>)
      %dma_wait3A_173 = tpu.memref_slice %arg2[%add3A_8] : memref<204800xi32, #tpu.memory_space<hbm>> -> memref<96xi32, #tpu.memory_space<hbm>>
      %dma_wait3A_174 = tpu.memref_slice %arg2[%add3A_8] : memref<204800xi32, #tpu.memory_space<hbm>> -> memref<96xi32, #tpu.memory_space<hbm>>
      tpu.wait_dma2 semaphore(%run_scoped3A : memref<!tpu.dma_semaphore, #tpu.memory_space<semaphore_mem>>) src(%dma_wait3A_174 : memref<96xi32, #tpu.memory_space<hbm>>) dst(%arg9 : memref<96xi32, #tpu.memory_space<vmem>>)
      tpu.yield
    }) : () -> ()
    %dma_start3A = arith.constant 0 : i32
    %dma_start3A_9 = arith.constant 0 : i32
    %dma_start3A_10 = tpu.memref_slice %arg11[%dma_start3A, %dma_start3A_9] : memref<200x64xf32, #tpu.memory_space<vmem>> -> memref<104x64xf32, #tpu.memory_space<vmem>>
    %dma_start3A_11 = arith.constant 0 : i32
    %dma_start3A_12 = arith.constant 0 : i32
    %dma_start3A_13 = tpu.memref_slice %arg3[%dma_start3A_11, %dma_start3A_12] : memref<1000000x64xf32, #tpu.memory_space<hbm>> -> memref<1000000x64xf32, #tpu.memory_space<hbm>>
    tpu.enqueue_indirect_dma source(%dma_start3A_13 : memref<1000000x64xf32, #tpu.memory_space<hbm>>) target(%dma_start3A_10 : memref<104x64xf32, #tpu.memory_space<vmem>>) offsets(%arg7 : memref<104xi32, #tpu.memory_space<vmem>>) semaphore(%arg15 : memref<!tpu.dma_semaphore, #tpu.memory_space<semaphore_mem>>)
    %dma_start3A_14 = arith.constant 104 : i32
    %dma_start3A_15 = arith.constant 0 : i32
    %dma_start3A_16 = tpu.memref_slice %arg11[%dma_start3A_14, %dma_start3A_15] : memref<200x64xf32, #tpu.memory_space<vmem>> -> memref<96x64xf32, #tpu.memory_space<vmem>>
    %dma_start3A_17 = arith.constant 0 : i32
    %dma_start3A_18 = arith.constant 0 : i32
    %dma_start3A_19 = tpu.memref_slice %arg3[%dma_start3A_17, %dma_start3A_18] : memref<1000000x64xf32, #tpu.memory_space<hbm>> -> memref<1000000x64xf32, #tpu.memory_space<hbm>>
    tpu.enqueue_indirect_dma source(%dma_start3A_19 : memref<1000000x64xf32, #tpu.memory_space<hbm>>) target(%dma_start3A_16 : memref<96x64xf32, #tpu.memory_space<vmem>>) offsets(%arg9 : memref<96xi32, #tpu.memory_space<vmem>>) semaphore(%arg15 : memref<!tpu.dma_semaphore, #tpu.memory_space<semaphore_mem>>)
    %mul3A_20 = arith.constant 32 : i32
    %mul3A_21 = arith.muli %add3A, %mul3A_20 : i32
    %add3A_22 = arith.constant 1 : i32
    %add3A_23 = arith.addi %mul3A_21, %add3A_22 : i32
    %mul3A_24 = arith.constant 200 : i32
    %mul3A_25 = arith.muli %add3A_23, %mul3A_24 : i32
    %multiple_of3A_26 = tpu.assume_multiple %mul3A_25, 8 : i32
    "tpu.region"() ({
      %run_scoped3A = tpu.sem_alloc : memref<!tpu.dma_semaphore, #tpu.memory_space<semaphore_mem>>
      %dma_start3A_171 = tpu.memref_slice %arg2[%multiple_of3A_26] : memref<204800xi32, #tpu.memory_space<hbm>> -> memref<104xi32, #tpu.memory_space<hbm>>
      %dma_start3A_172 = tpu.memref_slice %arg2[%multiple_of3A_26] : memref<204800xi32, #tpu.memory_space<hbm>> -> memref<104xi32, #tpu.memory_space<hbm>>
      tpu.enqueue_dma source(%dma_start3A_172 : memref<104xi32, #tpu.memory_space<hbm>>) target(%arg8 : memref<104xi32, #tpu.memory_space<vmem>>) target_semaphore(%run_scoped3A : memref<!tpu.dma_semaphore, #tpu.memory_space<semaphore_mem>>)
      %dma_wait3A_173 = tpu.memref_slice %arg2[%multiple_of3A_26] : memref<204800xi32, #tpu.memory_space<hbm>> -> memref<104xi32, #tpu.memory_space<hbm>>
      %dma_wait3A_174 = tpu.memref_slice %arg2[%multiple_of3A_26] : memref<204800xi32, #tpu.memory_space<hbm>> -> memref<104xi32, #tpu.memory_space<hbm>>
      tpu.wait_dma2 semaphore(%run_scoped3A : memref<!tpu.dma_semaphore, #tpu.memory_space<semaphore_mem>>) src(%dma_wait3A_174 : memref<104xi32, #tpu.memory_space<hbm>>) dst(%arg8 : memref<104xi32, #tpu.memory_space<vmem>>)
      tpu.yield
    }) : () -> ()
    %add3A_27 = arith.constant 104 : i32
    %add3A_28 = arith.addi %multiple_of3A_26, %add3A_27 : i32
    "tpu.region"() ({
      %run_scoped3A = tpu.sem_alloc : memref<!tpu.dma_semaphore, #tpu.memory_space<semaphore_mem>>
      %dma_start3A_171 = tpu.memref_slice %arg2[%add3A_28] : memref<204800xi32, #tpu.memory_space<hbm>> -> memref<96xi32, #tpu.memory_space<hbm>>
      %dma_start3A_172 = tpu.memref_slice %arg2[%add3A_28] : memref<204800xi32, #tpu.memory_space<hbm>> -> memref<96xi32, #tpu.memory_space<hbm>>
      tpu.enqueue_dma source(%dma_start3A_172 : memref<96xi32, #tpu.memory_space<hbm>>) target(%arg10 : memref<96xi32, #tpu.memory_space<vmem>>) target_semaphore(%run_scoped3A : memref<!tpu.dma_semaphore, #tpu.memory_space<semaphore_mem>>)
      %dma_wait3A_173 = tpu.memref_slice %arg2[%add3A_28] : memref<204800xi32, #tpu.memory_space<hbm>> -> memref<96xi32, #tpu.memory_space<hbm>>
      %dma_wait3A_174 = tpu.memref_slice %arg2[%add3A_28] : memref<204800xi32, #tpu.memory_space<hbm>> -> memref<96xi32, #tpu.memory_space<hbm>>
      tpu.wait_dma2 semaphore(%run_scoped3A : memref<!tpu.dma_semaphore, #tpu.memory_space<semaphore_mem>>) src(%dma_wait3A_174 : memref<96xi32, #tpu.memory_space<hbm>>) dst(%arg10 : memref<96xi32, #tpu.memory_space<vmem>>)
      tpu.yield
    }) : () -> ()
    %dma_start3A_29 = arith.constant 0 : i32
    %dma_start3A_30 = arith.constant 0 : i32
    %dma_start3A_31 = tpu.memref_slice %arg12[%dma_start3A_29, %dma_start3A_30] : memref<200x64xf32, #tpu.memory_space<vmem>> -> memref<104x64xf32, #tpu.memory_space<vmem>>
    %dma_start3A_32 = arith.constant 0 : i32
    %dma_start3A_33 = arith.constant 0 : i32
    %dma_start3A_34 = tpu.memref_slice %arg3[%dma_start3A_32, %dma_start3A_33] : memref<1000000x64xf32, #tpu.memory_space<hbm>> -> memref<1000000x64xf32, #tpu.memory_space<hbm>>
    tpu.enqueue_indirect_dma source(%dma_start3A_34 : memref<1000000x64xf32, #tpu.memory_space<hbm>>) target(%dma_start3A_31 : memref<104x64xf32, #tpu.memory_space<vmem>>) offsets(%arg8 : memref<104xi32, #tpu.memory_space<vmem>>) semaphore(%arg16 : memref<!tpu.dma_semaphore, #tpu.memory_space<semaphore_mem>>)
    %dma_start3A_35 = arith.constant 104 : i32
    %dma_start3A_36 = arith.constant 0 : i32
    %dma_start3A_37 = tpu.memref_slice %arg12[%dma_start3A_35, %dma_start3A_36] : memref<200x64xf32, #tpu.memory_space<vmem>> -> memref<96x64xf32, #tpu.memory_space<vmem>>
    %dma_start3A_38 = arith.constant 0 : i32
    %dma_start3A_39 = arith.constant 0 : i32
    %dma_start3A_40 = tpu.memref_slice %arg3[%dma_start3A_38, %dma_start3A_39] : memref<1000000x64xf32, #tpu.memory_space<hbm>> -> memref<1000000x64xf32, #tpu.memory_space<hbm>>
    tpu.enqueue_indirect_dma source(%dma_start3A_40 : memref<1000000x64xf32, #tpu.memory_space<hbm>>) target(%dma_start3A_37 : memref<96x64xf32, #tpu.memory_space<vmem>>) offsets(%arg10 : memref<96xi32, #tpu.memory_space<vmem>>) semaphore(%arg16 : memref<!tpu.dma_semaphore, #tpu.memory_space<semaphore_mem>>)
    %dma_wait3A = arith.constant 0 : i32
    %dma_wait3A_41 = arith.constant 0 : i32
    %dma_wait3A_42 = tpu.memref_slice %arg11[%dma_wait3A, %dma_wait3A_41] : memref<200x64xf32, #tpu.memory_space<vmem>> -> memref<104x64xf32, #tpu.memory_space<vmem>>
    %dma_wait3A_43 = arith.constant 0 : i32
    %dma_wait3A_44 = arith.constant 0 : i32
    %dma_wait3A_45 = tpu.memref_slice %arg3[%dma_wait3A_43, %dma_wait3A_44] : memref<1000000x64xf32, #tpu.memory_space<hbm>> -> memref<1000000x64xf32, #tpu.memory_space<hbm>>
    tpu.wait_indirect_dma semaphore(%arg15 : memref<!tpu.dma_semaphore, #tpu.memory_space<semaphore_mem>>) src(%dma_wait3A_45 : memref<1000000x64xf32, #tpu.memory_space<hbm>>) dst(%dma_wait3A_42 : memref<104x64xf32, #tpu.memory_space<vmem>>)
    %dma_wait3A_46 = arith.constant 104 : i32
    %dma_wait3A_47 = arith.constant 0 : i32
    %dma_wait3A_48 = tpu.memref_slice %arg11[%dma_wait3A_46, %dma_wait3A_47] : memref<200x64xf32, #tpu.memory_space<vmem>> -> memref<96x64xf32, #tpu.memory_space<vmem>>
    %dma_wait3A_49 = arith.constant 0 : i32
    %dma_wait3A_50 = arith.constant 0 : i32
    %dma_wait3A_51 = tpu.memref_slice %arg3[%dma_wait3A_49, %dma_wait3A_50] : memref<1000000x64xf32, #tpu.memory_space<hbm>> -> memref<1000000x64xf32, #tpu.memory_space<hbm>>
    tpu.wait_indirect_dma semaphore(%arg15 : memref<!tpu.dma_semaphore, #tpu.memory_space<semaphore_mem>>) src(%dma_wait3A_51 : memref<1000000x64xf32, #tpu.memory_space<hbm>>) dst(%dma_wait3A_48 : memref<96x64xf32, #tpu.memory_space<vmem>>)
    %scan3A = arith.constant 0 : i32
    %scan3A_52 = arith.constant 0 : i32
    %scan3A_53 = arith.constant 100 : i32
    %scan3A_54 = arith.addi %scan3A_52, %scan3A_53 : i32
    %scan3A_55 = arith.constant 1 : i32
    scf.for %scan3A_171 = %scan3A_52 to %scan3A_54 step %scan3A_55  : i32 {
      %mul3A_172 = arith.constant 2 : i32
      %mul3A_173 = arith.muli %scan3A_171, %mul3A_172 : i32
      %add3A_174 = arith.constant 0 : i32
      %add3A_175 = arith.addi %mul3A_173, %add3A_174 : i32
      %get3A = arith.index_cast %add3A_175 : i32 to index
      %get3A_176 = arith.constant 0 : index
      %get3A_177 = tpu.vector_load %arg11[%get3A, %get3A_176] {strides = array<i32>} : memref<200x64xf32, #tpu.memory_space<vmem>>, vector<1x16xf32>,
      %get3A_178 = vector.shape_cast %get3A_177 : vector<1x16xf32> to vector<16xf32>
      %mul3A_179 = arith.constant 8.000000e+00 : f32
      %mul3A_180 = vector.broadcast %mul3A_179 : f32 to vector<16xf32>
      %mul3A_181 = arith.mulf %get3A_178, %mul3A_180 : vector<16xf32>
      %get3A_182 = arith.index_cast %add3A_175 : i32 to index
      %get3A_183 = arith.constant 0 : index
      %get3A_184 = tpu.vector_load %arg6[%get3A_182, %get3A_183] {strides = array<i32>} : memref<200x64xf32, #tpu.memory_space<vmem>>, vector<1x16xf32>,
      %get3A_185 = vector.shape_cast %get3A_184 : vector<1x16xf32> to vector<16xf32>
      %add3A_186 = arith.addf %mul3A_181, %get3A_185 : vector<16xf32>
      %swap3A = arith.index_cast %add3A_175 : i32 to index
      %swap3A_187 = arith.constant 0 : index
      %swap3A_188 = tpu.vector_load %arg13[%swap3A, %swap3A_187] {strides = array<i32>} : memref<200x64xf32, #tpu.memory_space<vmem>>, vector<1x16xf32>,
      %swap3A_189 = vector.shape_cast %swap3A_188 : vector<1x16xf32> to vector<16xf32>
      %swap3A_190 = vector.shape_cast %add3A_186 : vector<16xf32> to vector<1x16xf32>
      tpu.vector_store %arg13[%swap3A, %swap3A_187], %swap3A_190 {strides = array<i32>} : memref<200x64xf32, #tpu.memory_space<vmem>>, vector<1x16xf32>,
      %get3A_191 = arith.index_cast %add3A_175 : i32 to index
      %get3A_192 = arith.constant 16 : index
      %get3A_193 = tpu.vector_load %arg11[%get3A_191, %get3A_192] {strides = array<i32>} : memref<200x64xf32, #tpu.memory_space<vmem>>, vector<1x16xf32>,
      %get3A_194 = vector.shape_cast %get3A_193 : vector<1x16xf32> to vector<16xf32>
      %mul3A_195 = arith.constant 8.000000e+00 : f32
      %mul3A_196 = vector.broadcast %mul3A_195 : f32 to vector<16xf32>
      %mul3A_197 = arith.mulf %get3A_194, %mul3A_196 : vector<16xf32>
      %get3A_198 = arith.index_cast %add3A_175 : i32 to index
      %get3A_199 = arith.constant 16 : index
      %get3A_200 = tpu.vector_load %arg6[%get3A_198, %get3A_199] {strides = array<i32>} : memref<200x64xf32, #tpu.memory_space<vmem>>, vector<1x16xf32>,
      %get3A_201 = vector.shape_cast %get3A_200 : vector<1x16xf32> to vector<16xf32>
      %add3A_202 = arith.addf %mul3A_197, %get3A_201 : vector<16xf32>
      %swap3A_203 = arith.index_cast %add3A_175 : i32 to index
      %swap3A_204 = arith.constant 16 : index
      %swap3A_205 = tpu.vector_load %arg13[%swap3A_203, %swap3A_204] {strides = array<i32>} : memref<200x64xf32, #tpu.memory_space<vmem>>, vector<1x16xf32>,
      %swap3A_206 = vector.shape_cast %swap3A_205 : vector<1x16xf32> to vector<16xf32>
      %swap3A_207 = vector.shape_cast %add3A_202 : vector<16xf32> to vector<1x16xf32>
      tpu.vector_store %arg13[%swap3A_203, %swap3A_204], %swap3A_207 {strides = array<i32>} : memref<200x64xf32, #tpu.memory_space<vmem>>, vector<1x16xf32>,
      %get3A_208 = arith.index_cast %add3A_175 : i32 to index
      %get3A_209 = arith.constant 32 : index
      %get3A_210 = tpu.vector_load %arg11[%get3A_208, %get3A_209] {strides = array<i32>} : memref<200x64xf32, #tpu.memory_space<vmem>>, vector<1x16xf32>,
      %get3A_211 = vector.shape_cast %get3A_210 : vector<1x16xf32> to vector<16xf32>
      %mul3A_212 = arith.constant 8.000000e+00 : f32
      %mul3A_213 = vector.broadcast %mul3A_212 : f32 to vector<16xf32>
      %mul3A_214 = arith.mulf %get3A_211, %mul3A_213 : vector<16xf32>
      %get3A_215 = arith.index_cast %add3A_175 : i32 to index
      %get3A_216 = arith.constant 32 : index
      %get3A_217 = tpu.vector_load %arg6[%get3A_215, %get3A_216] {strides = array<i32>} : memref<200x64xf32, #tpu.memory_space<vmem>>, vector<1x16xf32>,
      %get3A_218 = vector.shape_cast %get3A_217 : vector<1x16xf32> to vector<16xf32>
      %add3A_219 = arith.addf %mul3A_214, %get3A_218 : vector<16xf32>
      %swap3A_220 = arith.index_cast %add3A_175 : i32 to index
      %swap3A_221 = arith.constant 32 : index
      %swap3A_222 = tpu.vector_load %arg13[%swap3A_220, %swap3A_221] {strides = array<i32>} : memref<200x64xf32, #tpu.memory_space<vmem>>, vector<1x16xf32>,
      %swap3A_223 = vector.shape_cast %swap3A_222 : vector<1x16xf32> to vector<16xf32>
      %swap3A_224 = vector.shape_cast %add3A_219 : vector<16xf32> to vector<1x16xf32>
      tpu.vector_store %arg13[%swap3A_220, %swap3A_221], %swap3A_224 {strides = array<i32>} : memref<200x64xf32, #tpu.memory_space<vmem>>, vector<1x16xf32>,
      %get3A_225 = arith.index_cast %add3A_175 : i32 to index
      %get3A_226 = arith.constant 48 : index
      %get3A_227 = tpu.vector_load %arg11[%get3A_225, %get3A_226] {strides = array<i32>} : memref<200x64xf32, #tpu.memory_space<vmem>>, vector<1x16xf32>,
      %get3A_228 = vector.shape_cast %get3A_227 : vector<1x16xf32> to vector<16xf32>
      %mul3A_229 = arith.constant 8.000000e+00 : f32
      %mul3A_230 = vector.broadcast %mul3A_229 : f32 to vector<16xf32>
      %mul3A_231 = arith.mulf %get3A_228, %mul3A_230 : vector<16xf32>
      %get3A_232 = arith.index_cast %add3A_175 : i32 to index
      %get3A_233 = arith.constant 48 : index
      %get3A_234 = tpu.vector_load %arg6[%get3A_232, %get3A_233] {strides = array<i32>} : memref<200x64xf32, #tpu.memory_space<vmem>>, vector<1x16xf32>,
      %get3A_235 = vector.shape_cast %get3A_234 : vector<1x16xf32> to vector<16xf32>
      %add3A_236 = arith.addf %mul3A_231, %get3A_235 : vector<16xf32>
      %swap3A_237 = arith.index_cast %add3A_175 : i32 to index
      %swap3A_238 = arith.constant 48 : index
      %swap3A_239 = tpu.vector_load %arg13[%swap3A_237, %swap3A_238] {strides = array<i32>} : memref<200x64xf32, #tpu.memory_space<vmem>>, vector<1x16xf32>,
      %swap3A_240 = vector.shape_cast %swap3A_239 : vector<1x16xf32> to vector<16xf32>
      %swap3A_241 = vector.shape_cast %add3A_236 : vector<16xf32> to vector<1x16xf32>
      tpu.vector_store %arg13[%swap3A_237, %swap3A_238], %swap3A_241 {strides = array<i32>} : memref<200x64xf32, #tpu.memory_space<vmem>>, vector<1x16xf32>,
      %mul3A_242 = arith.constant 2 : i32
      %mul3A_243 = arith.muli %scan3A_171, %mul3A_242 : i32
      %add3A_244 = arith.constant 1 : i32
      %add3A_245 = arith.addi %mul3A_243, %add3A_244 : i32
      %get3A_246 = arith.index_cast %add3A_245 : i32 to index
      %get3A_247 = arith.constant 0 : index
      %get3A_248 = tpu.vector_load %arg11[%get3A_246, %get3A_247] {strides = array<i32>} : memref<200x64xf32, #tpu.memory_space<vmem>>, vector<1x16xf32>,
      %get3A_249 = vector.shape_cast %get3A_248 : vector<1x16xf32> to vector<16xf32>
      %mul3A_250 = arith.constant 8.000000e+00 : f32
      %mul3A_251 = vector.broadcast %mul3A_250 : f32 to vector<16xf32>
      %mul3A_252 = arith.mulf %get3A_249, %mul3A_251 : vector<16xf32>
      %get3A_253 = arith.index_cast %add3A_245 : i32 to index
      %get3A_254 = arith.constant 0 : index
      %get3A_255 = tpu.vector_load %arg6[%get3A_253, %get3A_254] {strides = array<i32>} : memref<200x64xf32, #tpu.memory_space<vmem>>, vector<1x16xf32>,
      %get3A_256 = vector.shape_cast %get3A_255 : vector<1x16xf32> to vector<16xf32>
      %add3A_257 = arith.addf %mul3A_252, %get3A_256 : vector<16xf32>
      %swap3A_258 = arith.index_cast %add3A_245 : i32 to index
      %swap3A_259 = arith.constant 0 : index
      %swap3A_260 = tpu.vector_load %arg13[%swap3A_258, %swap3A_259] {strides = array<i32>} : memref<200x64xf32, #tpu.memory_space<vmem>>, vector<1x16xf32>,
      %swap3A_261 = vector.shape_cast %swap3A_260 : vector<1x16xf32> to vector<16xf32>
      %swap3A_262 = vector.shape_cast %add3A_257 : vector<16xf32> to vector<1x16xf32>
      tpu.vector_store %arg13[%swap3A_258, %swap3A_259], %swap3A_262 {strides = array<i32>} : memref<200x64xf32, #tpu.memory_space<vmem>>, vector<1x16xf32>,
      %get3A_263 = arith.index_cast %add3A_245 : i32 to index
      %get3A_264 = arith.constant 16 : index
      %get3A_265 = tpu.vector_load %arg11[%get3A_263, %get3A_264] {strides = array<i32>} : memref<200x64xf32, #tpu.memory_space<vmem>>, vector<1x16xf32>,
      %get3A_266 = vector.shape_cast %get3A_265 : vector<1x16xf32> to vector<16xf32>
      %mul3A_267 = arith.constant 8.000000e+00 : f32
      %mul3A_268 = vector.broadcast %mul3A_267 : f32 to vector<16xf32>
      %mul3A_269 = arith.mulf %get3A_266, %mul3A_268 : vector<16xf32>
      %get3A_270 = arith.index_cast %add3A_245 : i32 to index
      %get3A_271 = arith.constant 16 : index
      %get3A_272 = tpu.vector_load %arg6[%get3A_270, %get3A_271] {strides = array<i32>} : memref<200x64xf32, #tpu.memory_space<vmem>>, vector<1x16xf32>,
      %get3A_273 = vector.shape_cast %get3A_272 : vector<1x16xf32> to vector<16xf32>
      %add3A_274 = arith.addf %mul3A_269, %get3A_273 : vector<16xf32>
      %swap3A_275 = arith.index_cast %add3A_245 : i32 to index
      %swap3A_276 = arith.constant 16 : index
      %swap3A_277 = tpu.vector_load %arg13[%swap3A_275, %swap3A_276] {strides = array<i32>} : memref<200x64xf32, #tpu.memory_space<vmem>>, vector<1x16xf32>,
      %swap3A_278 = vector.shape_cast %swap3A_277 : vector<1x16xf32> to vector<16xf32>
      %swap3A_279 = vector.shape_cast %add3A_274 : vector<16xf32> to vector<1x16xf32>
      tpu.vector_store %arg13[%swap3A_275, %swap3A_276], %swap3A_279 {strides = array<i32>} : memref<200x64xf32, #tpu.memory_space<vmem>>, vector<1x16xf32>,
      %get3A_280 = arith.index_cast %add3A_245 : i32 to index
      %get3A_281 = arith.constant 32 : index
      %get3A_282 = tpu.vector_load %arg11[%get3A_280, %get3A_281] {strides = array<i32>} : memref<200x64xf32, #tpu.memory_space<vmem>>, vector<1x16xf32>,
      %get3A_283 = vector.shape_cast %get3A_282 : vector<1x16xf32> to vector<16xf32>
      %mul3A_284 = arith.constant 8.000000e+00 : f32
      %mul3A_285 = vector.broadcast %mul3A_284 : f32 to vector<16xf32>
      %mul3A_286 = arith.mulf %get3A_283, %mul3A_285 : vector<16xf32>
      %get3A_287 = arith.index_cast %add3A_245 : i32 to index
      %get3A_288 = arith.constant 32 : index
      %get3A_289 = tpu.vector_load %arg6[%get3A_287, %get3A_288] {strides = array<i32>} : memref<200x64xf32, #tpu.memory_space<vmem>>, vector<1x16xf32>,
      %get3A_290 = vector.shape_cast %get3A_289 : vector<1x16xf32> to vector<16xf32>
      %add3A_291 = arith.addf %mul3A_286, %get3A_290 : vector<16xf32>
      %swap3A_292 = arith.index_cast %add3A_245 : i32 to index
      %swap3A_293 = arith.constant 32 : index
      %swap3A_294 = tpu.vector_load %arg13[%swap3A_292, %swap3A_293] {strides = array<i32>} : memref<200x64xf32, #tpu.memory_space<vmem>>, vector<1x16xf32>,
      %swap3A_295 = vector.shape_cast %swap3A_294 : vector<1x16xf32> to vector<16xf32>
      %swap3A_296 = vector.shape_cast %add3A_291 : vector<16xf32> to vector<1x16xf32>
      tpu.vector_store %arg13[%swap3A_292, %swap3A_293], %swap3A_296 {strides = array<i32>} : memref<200x64xf32, #tpu.memory_space<vmem>>, vector<1x16xf32>,
      %get3A_297 = arith.index_cast %add3A_245 : i32 to index
      %get3A_298 = arith.constant 48 : index
      %get3A_299 = tpu.vector_load %arg11[%get3A_297, %get3A_298] {strides = array<i32>} : memref<200x64xf32, #tpu.memory_space<vmem>>, vector<1x16xf32>,
      %get3A_300 = vector.shape_cast %get3A_299 : vector<1x16xf32> to vector<16xf32>
      %mul3A_301 = arith.constant 8.000000e+00 : f32
      %mul3A_302 = vector.broadcast %mul3A_301 : f32 to vector<16xf32>
      %mul3A_303 = arith.mulf %get3A_300, %mul3A_302 : vector<16xf32>
      %get3A_304 = arith.index_cast %add3A_245 : i32 to index
      %get3A_305 = arith.constant 48 : index
      %get3A_306 = tpu.vector_load %arg6[%get3A_304, %get3A_305] {strides = array<i32>} : memref<200x64xf32, #tpu.memory_space<vmem>>, vector<1x16xf32>,
      %get3A_307 = vector.shape_cast %get3A_306 : vector<1x16xf32> to vector<16xf32>
      %add3A_308 = arith.addf %mul3A_303, %get3A_307 : vector<16xf32>
      %swap3A_309 = arith.index_cast %add3A_245 : i32 to index
      %swap3A_310 = arith.constant 48 : index
      %swap3A_311 = tpu.vector_load %arg13[%swap3A_309, %swap3A_310] {strides = array<i32>} : memref<200x64xf32, #tpu.memory_space<vmem>>, vector<1x16xf32>,
      %swap3A_312 = vector.shape_cast %swap3A_311 : vector<1x16xf32> to vector<16xf32>
      %swap3A_313 = vector.shape_cast %add3A_308 : vector<16xf32> to vector<1x16xf32>
      tpu.vector_store %arg13[%swap3A_309, %swap3A_310], %swap3A_313 {strides = array<i32>} : memref<200x64xf32, #tpu.memory_space<vmem>>, vector<1x16xf32>,
    }
    %scan3A_56 = arith.constant 100 : i32
    %mul3A_57 = arith.constant 32 : i32
    %mul3A_58 = arith.muli %add3A, %mul3A_57 : i32
    %add3A_59 = arith.constant 0 : i32
    %add3A_60 = arith.addi %mul3A_58, %add3A_59 : i32
    %dma_start3A_61 = arith.constant 0 : i32
    %dma_start3A_62 = arith.constant 0 : i32
    %dma_start3A_63 = tpu.memref_slice %arg5[%add3A_60, %dma_start3A_61, %dma_start3A_62] : memref<1024x200x64xf32, #tpu.memory_space<hbm>> -> memref<1x200x64xf32, #tpu.memory_space<hbm>>
    %dma_start3A_64 = tpu.memref_squeeze %dma_start3A_63 : memref<1x200x64xf32, #tpu.memory_space<hbm>> -> memref<200x64xf32, #tpu.memory_space<hbm>>
    %dma_start3A_65 = arith.constant 0 : i32
    %dma_start3A_66 = arith.constant 0 : i32
    %dma_start3A_67 = tpu.memref_slice %arg5[%add3A_60, %dma_start3A_65, %dma_start3A_66] : memref<1024x200x64xf32, #tpu.memory_space<hbm>> -> memref<1x200x64xf32, #tpu.memory_space<hbm>>
    %dma_start3A_68 = tpu.memref_squeeze %dma_start3A_67 : memref<1x200x64xf32, #tpu.memory_space<hbm>> -> memref<200x64xf32, #tpu.memory_space<hbm>>
    tpu.enqueue_dma source(%arg13 : memref<200x64xf32, #tpu.memory_space<vmem>>) target(%dma_start3A_68 : memref<200x64xf32, #tpu.memory_space<hbm>>) target_semaphore(%arg17 : memref<!tpu.dma_semaphore, #tpu.memory_space<semaphore_mem>>)
    %mul3A_69 = arith.constant 32 : i32
    %mul3A_70 = arith.muli %add3A, %mul3A_69 : i32
    %add3A_71 = arith.constant 2 : i32
    %add3A_72 = arith.addi %mul3A_70, %add3A_71 : i32
    %mul3A_73 = arith.constant 200 : i32
    %mul3A_74 = arith.muli %add3A_72, %mul3A_73 : i32
    %multiple_of3A_75 = tpu.assume_multiple %mul3A_74, 8 : i32
    "tpu.region"() ({
      %run_scoped3A = tpu.sem_alloc : memref<!tpu.dma_semaphore, #tpu.memory_space<semaphore_mem>>
      %dma_start3A_171 = tpu.memref_slice %arg2[%multiple_of3A_75] : memref<204800xi32, #tpu.memory_space<hbm>> -> memref<104xi32, #tpu.memory_space<hbm>>
      %dma_start3A_172 = tpu.memref_slice %arg2[%multiple_of3A_75] : memref<204800xi32, #tpu.memory_space<hbm>> -> memref<104xi32, #tpu.memory_space<hbm>>
      tpu.enqueue_dma source(%dma_start3A_172 : memref<104xi32, #tpu.memory_space<hbm>>) target(%arg7 : memref<104xi32, #tpu.memory_space<vmem>>) target_semaphore(%run_scoped3A : memref<!tpu.dma_semaphore, #tpu.memory_space<semaphore_mem>>)
      %dma_wait3A_173 = tpu.memref_slice %arg2[%multiple_of3A_75] : memref<204800xi32, #tpu.memory_space<hbm>> -> memref<104xi32, #tpu.memory_space<hbm>>
      %dma_wait3A_174 = tpu.memref_slice %arg2[%multiple_of3A_75] : memref<204800xi32, #tpu.memory_space<hbm>> -> memref<104xi32, #tpu.memory_space<hbm>>
      tpu.wait_dma2 semaphore(%run_scoped3A : memref<!tpu.dma_semaphore, #tpu.memory_space<semaphore_mem>>) src(%dma_wait3A_174 : memref<104xi32, #tpu.memory_space<hbm>>) dst(%arg7 : memref<104xi32, #tpu.memory_space<vmem>>)
      tpu.yield
    }) : () -> ()
    %add3A_76 = arith.constant 104 : i32
    %add3A_77 = arith.addi %multiple_of3A_75, %add3A_76 : i32
    "tpu.region"() ({
      %run_scoped3A = tpu.sem_alloc : memref<!tpu.dma_semaphore, #tpu.memory_space<semaphore_mem>>
      %dma_start3A_171 = tpu.memref_slice %arg2[%add3A_77] : memref<204800xi32, #tpu.memory_space<hbm>> -> memref<96xi32, #tpu.memory_space<hbm>>
      %dma_start3A_172 = tpu.memref_slice %arg2[%add3A_77] : memref<204800xi32, #tpu.memory_space<hbm>> -> memref<96xi32, #tpu.memory_space<hbm>>
      tpu.enqueue_dma source(%dma_start3A_172 : memref<96xi32, #tpu.memory_space<hbm>>) target(%arg9 : memref<96xi32, #tpu.memory_space<vmem>>) target_semaphore(%run_scoped3A : memref<!tpu.dma_semaphore, #tpu.memory_space<semaphore_mem>>)
      %dma_wait3A_173 = tpu.memref_slice %arg2[%add3A_77] : memref<204800xi32, #tpu.memory_space<hbm>> -> memref<96xi32, #tpu.memory_space<hbm>>
      %dma_wait3A_174 = tpu.memref_slice %arg2[%add3A_77] : memref<204800xi32, #tpu.memory_space<hbm>> -> memref<96xi32, #tpu.memory_space<hbm>>
      tpu.wait_dma2 semaphore(%run_scoped3A : memref<!tpu.dma_semaphore, #tpu.memory_space<semaphore_mem>>) src(%dma_wait3A_174 : memref<96xi32, #tpu.memory_space<hbm>>) dst(%arg9 : memref<96xi32, #tpu.memory_space<vmem>>)
      tpu.yield
    }) : () -> ()
    %dma_start3A_78 = arith.constant 0 : i32
    %dma_start3A_79 = arith.constant 0 : i32
    %dma_start3A_80 = tpu.memref_slice %arg11[%dma_start3A_78, %dma_start3A_79] : memref<200x64xf32, #tpu.memory_space<vmem>> -> memref<104x64xf32, #tpu.memory_space<vmem>>
    %dma_start3A_81 = arith.constant 0 : i32
    %dma_start3A_82 = arith.constant 0 : i32
    %dma_start3A_83 = tpu.memref_slice %arg3[%dma_start3A_81, %dma_start3A_82] : memref<1000000x64xf32, #tpu.memory_space<hbm>> -> memref<1000000x64xf32, #tpu.memory_space<hbm>>
    tpu.enqueue_indirect_dma source(%dma_start3A_83 : memref<1000000x64xf32, #tpu.memory_space<hbm>>) target(%dma_start3A_80 : memref<104x64xf32, #tpu.memory_space<vmem>>) offsets(%arg7 : memref<104xi32, #tpu.memory_space<vmem>>) semaphore(%arg15 : memref<!tpu.dma_semaphore, #tpu.memory_space<semaphore_mem>>)
    %dma_start3A_84 = arith.constant 104 : i32
    %dma_start3A_85 = arith.constant 0 : i32
    %dma_start3A_86 = tpu.memref_slice %arg11[%dma_start3A_84, %dma_start3A_85] : memref<200x64xf32, #tpu.memory_space<vmem>> -> memref<96x64xf32, #tpu.memory_space<vmem>>
    %dma_start3A_87 = arith.constant 0 : i32
    %dma_start3A_88 = arith.constant 0 : i32
    %dma_start3A_89 = tpu.memref_slice %arg3[%dma_start3A_87, %dma_start3A_88] : memref<1000000x64xf32, #tpu.memory_space<hbm>> -> memref<1000000x64xf32, #tpu.memory_space<hbm>>
    tpu.enqueue_indirect_dma source(%dma_start3A_89 : memref<1000000x64xf32, #tpu.memory_space<hbm>>) target(%dma_start3A_86 : memref<96x64xf32, #tpu.memory_space<vmem>>) offsets(%arg9 : memref<96xi32, #tpu.memory_space<vmem>>) semaphore(%arg15 : memref<!tpu.dma_semaphore, #tpu.memory_space<semaphore_mem>>)
    %dma_wait3A_90 = arith.constant 0 : i32
    %dma_wait3A_91 = arith.constant 0 : i32
    %dma_wait3A_92 = tpu.memref_slice %arg12[%dma_wait3A_90, %dma_wait3A_91] : memref<200x64xf32, #tpu.memory_space<vmem>> -> memref<104x64xf32, #tpu.memory_space<vmem>>
    %dma_wait3A_93 = arith.constant 0 : i32
    %dma_wait3A_94 = arith.constant 0 : i32
    %dma_wait3A_95 = tpu.memref_slice %arg3[%dma_wait3A_93, %dma_wait3A_94] : memref<1000000x64xf32, #tpu.memory_space<hbm>> -> memref<1000000x64xf32, #tpu.memory_space<hbm>>
    tpu.wait_indirect_dma semaphore(%arg16 : memref<!tpu.dma_semaphore, #tpu.memory_space<semaphore_mem>>) src(%dma_wait3A_95 : memref<1000000x64xf32, #tpu.memory_space<hbm>>) dst(%dma_wait3A_92 : memref<104x64xf32, #tpu.memory_space<vmem>>)
    %dma_wait3A_96 = arith.constant 104 : i32
    %dma_wait3A_97 = arith.constant 0 : i32
    %dma_wait3A_98 = tpu.memref_slice %arg12[%dma_wait3A_96, %dma_wait3A_97] : memref<200x64xf32, #tpu.memory_space<vmem>> -> memref<96x64xf32, #tpu.memory_space<vmem>>
    %dma_wait3A_99 = arith.constant 0 : i32
    %dma_wait3A_100 = arith.constant 0 : i32
    %dma_wait3A_101 = tpu.memref_slice %arg3[%dma_wait3A_99, %dma_wait3A_100] : memref<1000000x64xf32, #tpu.memory_space<hbm>> -> memref<1000000x64xf32, #tpu.memory_space<hbm>>
    tpu.wait_indirect_dma semaphore(%arg16 : memref<!tpu.dma_semaphore, #tpu.memory_space<semaphore_mem>>) src(%dma_wait3A_101 : memref<1000000x64xf32, #tpu.memory_space<hbm>>) dst(%dma_wait3A_98 : memref<96x64xf32, #tpu.memory_space<vmem>>)
    %scan3A_102 = arith.constant 0 : i32
    %scan3A_103 = arith.constant 0 : i32
    %scan3A_104 = arith.constant 100 : i32
    %scan3A_105 = arith.addi %scan3A_103, %scan3A_104 : i32
    %scan3A_106 = arith.constant 1 : i32
    scf.for %scan3A_171 = %scan3A_103 to %scan3A_105 step %scan3A_106  : i32 {
      %mul3A_172 = arith.constant 2 : i32
      %mul3A_173 = arith.muli %scan3A_171, %mul3A_172 : i32
      %add3A_174 = arith.constant 0 : i32
      %add3A_175 = arith.addi %mul3A_173, %add3A_174 : i32
      %get3A = arith.index_cast %add3A_175 : i32 to index
      %get3A_176 = arith.constant 0 : index
      %get3A_177 = tpu.vector_load %arg12[%get3A, %get3A_176] {strides = array<i32>} : memref<200x64xf32, #tpu.memory_space<vmem>>, vector<1x16xf32>,
      %get3A_178 = vector.shape_cast %get3A_177 : vector<1x16xf32> to vector<16xf32>
      %mul3A_179 = arith.constant 8.000000e+00 : f32
      %mul3A_180 = vector.broadcast %mul3A_179 : f32 to vector<16xf32>
      %mul3A_181 = arith.mulf %get3A_178, %mul3A_180 : vector<16xf32>
      %get3A_182 = arith.index_cast %add3A_175 : i32 to index
      %get3A_183 = arith.constant 0 : index
      %get3A_184 = tpu.vector_load %arg6[%get3A_182, %get3A_183] {strides = array<i32>} : memref<200x64xf32, #tpu.memory_space<vmem>>, vector<1x16xf32>,
      %get3A_185 = vector.shape_cast %get3A_184 : vector<1x16xf32> to vector<16xf32>
      %add3A_186 = arith.addf %mul3A_181, %get3A_185 : vector<16xf32>
      %swap3A = arith.index_cast %add3A_175 : i32 to index
      %swap3A_187 = arith.constant 0 : index
      %swap3A_188 = tpu.vector_load %arg14[%swap3A, %swap3A_187] {strides = array<i32>} : memref<200x64xf32, #tpu.memory_space<vmem>>, vector<1x16xf32>,
      %swap3A_189 = vector.shape_cast %swap3A_188 : vector<1x16xf32> to vector<16xf32>
      %swap3A_190 = vector.shape_cast %add3A_186 : vector<16xf32> to vector<1x16xf32>
      tpu.vector_store %arg14[%swap3A, %swap3A_187], %swap3A_190 {strides = array<i32>} : memref<200x64xf32, #tpu.memory_space<vmem>>, vector<1x16xf32>,
      %get3A_191 = arith.index_cast %add3A_175 : i32 to index
      %get3A_192 = arith.constant 16 : index
      %get3A_193 = tpu.vector_load %arg12[%get3A_191, %get3A_192] {strides = array<i32>} : memref<200x64xf32, #tpu.memory_space<vmem>>, vector<1x16xf32>,
      %get3A_194 = vector.shape_cast %get3A_193 : vector<1x16xf32> to vector<16xf32>
      %mul3A_195 = arith.constant 8.000000e+00 : f32
      %mul3A_196 = vector.broadcast %mul3A_195 : f32 to vector<16xf32>
      %mul3A_197 = arith.mulf %get3A_194, %mul3A_196 : vector<16xf32>
      %get3A_198 = arith.index_cast %add3A_175 : i32 to index
      %get3A_199 = arith.constant 16 : index
      %get3A_200 = tpu.vector_load %arg6[%get3A_198, %get3A_199] {strides = array<i32>} : memref<200x64xf32, #tpu.memory_space<vmem>>, vector<1x16xf32>,
      %get3A_201 = vector.shape_cast %get3A_200 : vector<1x16xf32> to vector<16xf32>
      %add3A_202 = arith.addf %mul3A_197, %get3A_201 : vector<16xf32>
      %swap3A_203 = arith.index_cast %add3A_175 : i32 to index
      %swap3A_204 = arith.constant 16 : index
      %swap3A_205 = tpu.vector_load %arg14[%swap3A_203, %swap3A_204] {strides = array<i32>} : memref<200x64xf32, #tpu.memory_space<vmem>>, vector<1x16xf32>,
      %swap3A_206 = vector.shape_cast %swap3A_205 : vector<1x16xf32> to vector<16xf32>
      %swap3A_207 = vector.shape_cast %add3A_202 : vector<16xf32> to vector<1x16xf32>
      tpu.vector_store %arg14[%swap3A_203, %swap3A_204], %swap3A_207 {strides = array<i32>} : memref<200x64xf32, #tpu.memory_space<vmem>>, vector<1x16xf32>,
      %get3A_208 = arith.index_cast %add3A_175 : i32 to index
      %get3A_209 = arith.constant 32 : index
      %get3A_210 = tpu.vector_load %arg12[%get3A_208, %get3A_209] {strides = array<i32>} : memref<200x64xf32, #tpu.memory_space<vmem>>, vector<1x16xf32>,
      %get3A_211 = vector.shape_cast %get3A_210 : vector<1x16xf32> to vector<16xf32>
      %mul3A_212 = arith.constant 8.000000e+00 : f32
      %mul3A_213 = vector.broadcast %mul3A_212 : f32 to vector<16xf32>
      %mul3A_214 = arith.mulf %get3A_211, %mul3A_213 : vector<16xf32>
      %get3A_215 = arith.index_cast %add3A_175 : i32 to index
      %get3A_216 = arith.constant 32 : index
      %get3A_217 = tpu.vector_load %arg6[%get3A_215, %get3A_216] {strides = array<i32>} : memref<200x64xf32, #tpu.memory_space<vmem>>, vector<1x16xf32>,
      %get3A_218 = vector.shape_cast %get3A_217 : vector<1x16xf32> to vector<16xf32>
      %add3A_219 = arith.addf %mul3A_214, %get3A_218 : vector<16xf32>
      %swap3A_220 = arith.index_cast %add3A_175 : i32 to index
      %swap3A_221 = arith.constant 32 : index
      %swap3A_222 = tpu.vector_load %arg14[%swap3A_220, %swap3A_221] {strides = array<i32>} : memref<200x64xf32, #tpu.memory_space<vmem>>, vector<1x16xf32>,
      %swap3A_223 = vector.shape_cast %swap3A_222 : vector<1x16xf32> to vector<16xf32>
      %swap3A_224 = vector.shape_cast %add3A_219 : vector<16xf32> to vector<1x16xf32>
      tpu.vector_store %arg14[%swap3A_220, %swap3A_221], %swap3A_224 {strides = array<i32>} : memref<200x64xf32, #tpu.memory_space<vmem>>, vector<1x16xf32>,
      %get3A_225 = arith.index_cast %add3A_175 : i32 to index
      %get3A_226 = arith.constant 48 : index
      %get3A_227 = tpu.vector_load %arg12[%get3A_225, %get3A_226] {strides = array<i32>} : memref<200x64xf32, #tpu.memory_space<vmem>>, vector<1x16xf32>,
      %get3A_228 = vector.shape_cast %get3A_227 : vector<1x16xf32> to vector<16xf32>
      %mul3A_229 = arith.constant 8.000000e+00 : f32
      %mul3A_230 = vector.broadcast %mul3A_229 : f32 to vector<16xf32>
      %mul3A_231 = arith.mulf %get3A_228, %mul3A_230 : vector<16xf32>
      %get3A_232 = arith.index_cast %add3A_175 : i32 to index
      %get3A_233 = arith.constant 48 : index
      %get3A_234 = tpu.vector_load %arg6[%get3A_232, %get3A_233] {strides = array<i32>} : memref<200x64xf32, #tpu.memory_space<vmem>>, vector<1x16xf32>,
      %get3A_235 = vector.shape_cast %get3A_234 : vector<1x16xf32> to vector<16xf32>
      %add3A_236 = arith.addf %mul3A_231, %get3A_235 : vector<16xf32>
      %swap3A_237 = arith.index_cast %add3A_175 : i32 to index
      %swap3A_238 = arith.constant 48 : index
      %swap3A_239 = tpu.vector_load %arg14[%swap3A_237, %swap3A_238] {strides = array<i32>} : memref<200x64xf32, #tpu.memory_space<vmem>>, vector<1x16xf32>,
      %swap3A_240 = vector.shape_cast %swap3A_239 : vector<1x16xf32> to vector<16xf32>
      %swap3A_241 = vector.shape_cast %add3A_236 : vector<16xf32> to vector<1x16xf32>
      tpu.vector_store %arg14[%swap3A_237, %swap3A_238], %swap3A_241 {strides = array<i32>} : memref<200x64xf32, #tpu.memory_space<vmem>>, vector<1x16xf32>,
      %mul3A_242 = arith.constant 2 : i32
      %mul3A_243 = arith.muli %scan3A_171, %mul3A_242 : i32
      %add3A_244 = arith.constant 1 : i32
      %add3A_245 = arith.addi %mul3A_243, %add3A_244 : i32
      %get3A_246 = arith.index_cast %add3A_245 : i32 to index
      %get3A_247 = arith.constant 0 : index
      %get3A_248 = tpu.vector_load %arg12[%get3A_246, %get3A_247] {strides = array<i32>} : memref<200x64xf32, #tpu.memory_space<vmem>>, vector<1x16xf32>,
      %get3A_249 = vector.shape_cast %get3A_248 : vector<1x16xf32> to vector<16xf32>
      %mul3A_250 = arith.constant 8.000000e+00 : f32
      %mul3A_251 = vector.broadcast %mul3A_250 : f32 to vector<16xf32>
      %mul3A_252 = arith.mulf %get3A_249, %mul3A_251 : vector<16xf32>
      %get3A_253 = arith.index_cast %add3A_245 : i32 to index
      %get3A_254 = arith.constant 0 : index
      %get3A_255 = tpu.vector_load %arg6[%get3A_253, %get3A_254] {strides = array<i32>} : memref<200x64xf32, #tpu.memory_space<vmem>>, vector<1x16xf32>,
      %get3A_256 = vector.shape_cast %get3A_255 : vector<1x16xf32> to vector<16xf32>
      %add3A_257 = arith.addf %mul3A_252, %get3A_256 : vector<16xf32>
      %swap3A_258 = arith.index_cast %add3A_245 : i32 to index
      %swap3A_259 = arith.constant 0 : index
      %swap3A_260 = tpu.vector_load %arg14[%swap3A_258, %swap3A_259] {strides = array<i32>} : memref<200x64xf32, #tpu.memory_space<vmem>>, vector<1x16xf32>,
      %swap3A_261 = vector.shape_cast %swap3A_260 : vector<1x16xf32> to vector<16xf32>
      %swap3A_262 = vector.shape_cast %add3A_257 : vector<16xf32> to vector<1x16xf32>
      tpu.vector_store %arg14[%swap3A_258, %swap3A_259], %swap3A_262 {strides = array<i32>} : memref<200x64xf32, #tpu.memory_space<vmem>>, vector<1x16xf32>,
      %get3A_263 = arith.index_cast %add3A_245 : i32 to index
      %get3A_264 = arith.constant 16 : index
      %get3A_265 = tpu.vector_load %arg12[%get3A_263, %get3A_264] {strides = array<i32>} : memref<200x64xf32, #tpu.memory_space<vmem>>, vector<1x16xf32>,
      %get3A_266 = vector.shape_cast %get3A_265 : vector<1x16xf32> to vector<16xf32>
      %mul3A_267 = arith.constant 8.000000e+00 : f32
      %mul3A_268 = vector.broadcast %mul3A_267 : f32 to vector<16xf32>
      %mul3A_269 = arith.mulf %get3A_266, %mul3A_268 : vector<16xf32>
      %get3A_270 = arith.index_cast %add3A_245 : i32 to index
      %get3A_271 = arith.constant 16 : index
      %get3A_272 = tpu.vector_load %arg6[%get3A_270, %get3A_271] {strides = array<i32>} : memref<200x64xf32, #tpu.memory_space<vmem>>, vector<1x16xf32>,
      %get3A_273 = vector.shape_cast %get3A_272 : vector<1x16xf32> to vector<16xf32>
      %add3A_274 = arith.addf %mul3A_269, %get3A_273 : vector<16xf32>
      %swap3A_275 = arith.index_cast %add3A_245 : i32 to index
      %swap3A_276 = arith.constant 16 : index
      %swap3A_277 = tpu.vector_load %arg14[%swap3A_275, %swap3A_276] {strides = array<i32>} : memref<200x64xf32, #tpu.memory_space<vmem>>, vector<1x16xf32>,
      %swap3A_278 = vector.shape_cast %swap3A_277 : vector<1x16xf32> to vector<16xf32>
      %swap3A_279 = vector.shape_cast %add3A_274 : vector<16xf32> to vector<1x16xf32>
      tpu.vector_store %arg14[%swap3A_275, %swap3A_276], %swap3A_279 {strides = array<i32>} : memref<200x64xf32, #tpu.memory_space<vmem>>, vector<1x16xf32>,
      %get3A_280 = arith.index_cast %add3A_245 : i32 to index
      %get3A_281 = arith.constant 32 : index
      %get3A_282 = tpu.vector_load %arg12[%get3A_280, %get3A_281] {strides = array<i32>} : memref<200x64xf32, #tpu.memory_space<vmem>>, vector<1x16xf32>,
      %get3A_283 = vector.shape_cast %get3A_282 : vector<1x16xf32> to vector<16xf32>
      %mul3A_284 = arith.constant 8.000000e+00 : f32
      %mul3A_285 = vector.broadcast %mul3A_284 : f32 to vector<16xf32>
      %mul3A_286 = arith.mulf %get3A_283, %mul3A_285 : vector<16xf32>
      %get3A_287 = arith.index_cast %add3A_245 : i32 to index
      %get3A_288 = arith.constant 32 : index
      %get3A_289 = tpu.vector_load %arg6[%get3A_287, %get3A_288] {strides = array<i32>} : memref<200x64xf32, #tpu.memory_space<vmem>>, vector<1x16xf32>,
      %get3A_290 = vector.shape_cast %get3A_289 : vector<1x16xf32> to vector<16xf32>
      %add3A_291 = arith.addf %mul3A_286, %get3A_290 : vector<16xf32>
      %swap3A_292 = arith.index_cast %add3A_245 : i32 to index
      %swap3A_293 = arith.constant 32 : index
      %swap3A_294 = tpu.vector_load %arg14[%swap3A_292, %swap3A_293] {strides = array<i32>} : memref<200x64xf32, #tpu.memory_space<vmem>>, vector<1x16xf32>,
      %swap3A_295 = vector.shape_cast %swap3A_294 : vector<1x16xf32> to vector<16xf32>
      %swap3A_296 = vector.shape_cast %add3A_291 : vector<16xf32> to vector<1x16xf32>
      tpu.vector_store %arg14[%swap3A_292, %swap3A_293], %swap3A_296 {strides = array<i32>} : memref<200x64xf32, #tpu.memory_space<vmem>>, vector<1x16xf32>,
      %get3A_297 = arith.index_cast %add3A_245 : i32 to index
      %get3A_298 = arith.constant 48 : index
      %get3A_299 = tpu.vector_load %arg12[%get3A_297, %get3A_298] {strides = array<i32>} : memref<200x64xf32, #tpu.memory_space<vmem>>, vector<1x16xf32>,
      %get3A_300 = vector.shape_cast %get3A_299 : vector<1x16xf32> to vector<16xf32>
      %mul3A_301 = arith.constant 8.000000e+00 : f32
      %mul3A_302 = vector.broadcast %mul3A_301 : f32 to vector<16xf32>
      %mul3A_303 = arith.mulf %get3A_300, %mul3A_302 : vector<16xf32>
      %get3A_304 = arith.index_cast %add3A_245 : i32 to index
      %get3A_305 = arith.constant 48 : index
      %get3A_306 = tpu.vector_load %arg6[%get3A_304, %get3A_305] {strides = array<i32>} : memref<200x64xf32, #tpu.memory_space<vmem>>, vector<1x16xf32>,
      %get3A_307 = vector.shape_cast %get3A_306 : vector<1x16xf32> to vector<16xf32>
      %add3A_308 = arith.addf %mul3A_303, %get3A_307 : vector<16xf32>
      %swap3A_309 = arith.index_cast %add3A_245 : i32 to index
      %swap3A_310 = arith.constant 48 : index
      %swap3A_311 = tpu.vector_load %arg14[%swap3A_309, %swap3A_310] {strides = array<i32>} : memref<200x64xf32, #tpu.memory_space<vmem>>, vector<1x16xf32>,
      %swap3A_312 = vector.shape_cast %swap3A_311 : vector<1x16xf32> to vector<16xf32>
      %swap3A_313 = vector.shape_cast %add3A_308 : vector<16xf32> to vector<1x16xf32>
      tpu.vector_store %arg14[%swap3A_309, %swap3A_310], %swap3A_313 {strides = array<i32>} : memref<200x64xf32, #tpu.memory_space<vmem>>, vector<1x16xf32>,
    }
    %scan3A_107 = arith.constant 100 : i32
    %mul3A_108 = arith.constant 32 : i32
    %mul3A_109 = arith.muli %add3A, %mul3A_108 : i32
    %add3A_110 = arith.constant 1 : i32
    %add3A_111 = arith.addi %mul3A_109, %add3A_110 : i32
    %dma_start3A_112 = arith.constant 0 : i32
    %dma_start3A_113 = arith.constant 0 : i32
    %dma_start3A_114 = tpu.memref_slice %arg5[%add3A_111, %dma_start3A_112, %dma_start3A_113] : memref<1024x200x64xf32, #tpu.memory_space<hbm>> -> memref<1x200x64xf32, #tpu.memory_space<hbm>>
    %dma_start3A_115 = tpu.memref_squeeze %dma_start3A_114 : memref<1x200x64xf32, #tpu.memory_space<hbm>> -> memref<200x64xf32, #tpu.memory_space<hbm>>
    %dma_start3A_116 = arith.constant 0 : i32
    %dma_start3A_117 = arith.constant 0 : i32
    %dma_start3A_118 = tpu.memref_slice %arg5[%add3A_111, %dma_start3A_116, %dma_start3A_117] : memref<1024x200x64xf32, #tpu.memory_space<hbm>> -> memref<1x200x64xf32, #tpu.memory_space<hbm>>
    %dma_start3A_119 = tpu.memref_squeeze %dma_start3A_118 : memref<1x200x64xf32, #tpu.memory_space<hbm>> -> memref<200x64xf32, #tpu.memory_space<hbm>>
    tpu.enqueue_dma source(%arg14 : memref<200x64xf32, #tpu.memory_space<vmem>>) target(%dma_start3A_119 : memref<200x64xf32, #tpu.memory_space<hbm>>) target_semaphore(%arg18 : memref<!tpu.dma_semaphore, #tpu.memory_space<semaphore_mem>>)
    %mul3A_120 = arith.constant 32 : i32
    %mul3A_121 = arith.muli %add3A, %mul3A_120 : i32
    %add3A_122 = arith.constant 3 : i32
    %add3A_123 = arith.addi %mul3A_121, %add3A_122 : i32
    %mul3A_124 = arith.constant 200 : i32
    %mul3A_125 = arith.muli %add3A_123, %mul3A_124 : i32
    %multiple_of3A_126 = tpu.assume_multiple %mul3A_125, 8 : i32
    "tpu.region"() ({
      %run_scoped3A = tpu.sem_alloc : memref<!tpu.dma_semaphore, #tpu.memory_space<semaphore_mem>>
      %dma_start3A_171 = tpu.memref_slice %arg2[%multiple_of3A_126] : memref<204800xi32, #tpu.memory_space<hbm>> -> memref<104xi32, #tpu.memory_space<hbm>>
      %dma_start3A_172 = tpu.memref_slice %arg2[%multiple_of3A_126] : memref<204800xi32, #tpu.memory_space<hbm>> -> memref<104xi32, #tpu.memory_space<hbm>>
      tpu.enqueue_dma source(%dma_start3A_172 : memref<104xi32, #tpu.memory_space<hbm>>) target(%arg8 : memref<104xi32, #tpu.memory_space<vmem>>) target_semaphore(%run_scoped3A : memref<!tpu.dma_semaphore, #tpu.memory_space<semaphore_mem>>)
      %dma_wait3A_173 = tpu.memref_slice %arg2[%multiple_of3A_126] : memref<204800xi32, #tpu.memory_space<hbm>> -> memref<104xi32, #tpu.memory_space<hbm>>
      %dma_wait3A_174 = tpu.memref_slice %arg2[%multiple_of3A_126] : memref<204800xi32, #tpu.memory_space<hbm>> -> memref<104xi32, #tpu.memory_space<hbm>>
      tpu.wait_dma2 semaphore(%run_scoped3A : memref<!tpu.dma_semaphore, #tpu.memory_space<semaphore_mem>>) src(%dma_wait3A_174 : memref<104xi32, #tpu.memory_space<hbm>>) dst(%arg8 : memref<104xi32, #tpu.memory_space<vmem>>)
      tpu.yield
    }) : () -> ()
    %add3A_127 = arith.constant 104 : i32
    %add3A_128 = arith.addi %multiple_of3A_126, %add3A_127 : i32
    "tpu.region"() ({
      %run_scoped3A = tpu.sem_alloc : memref<!tpu.dma_semaphore, #tpu.memory_space<semaphore_mem>>
      %dma_start3A_171 = tpu.memref_slice %arg2[%add3A_128] : memref<204800xi32, #tpu.memory_space<hbm>> -> memref<96xi32, #tpu.memory_space<hbm>>
      %dma_start3A_172 = tpu.memref_slice %arg2[%add3A_128] : memref<204800xi32, #tpu.memory_space<hbm>> -> memref<96xi32, #tpu.memory_space<hbm>>
      tpu.enqueue_dma source(%dma_start3A_172 : memref<96xi32, #tpu.memory_space<hbm>>) target(%arg10 : memref<96xi32, #tpu.memory_space<vmem>>) target_semaphore(%run_scoped3A : memref<!tpu.dma_semaphore, #tpu.memory_space<semaphore_mem>>)
      %dma_wait3A_173 = tpu.memref_slice %arg2[%add3A_128] : memref<204800xi32, #tpu.memory_space<hbm>> -> memref<96xi32, #tpu.memory_space<hbm>>
      %dma_wait3A_174 = tpu.memref_slice %arg2[%add3A_128] : memref<204800xi32, #tpu.memory_space<hbm>> -> memref<96xi32, #tpu.memory_space<hbm>>
      tpu.wait_dma2 semaphore(%run_scoped3A : memref<!tpu.dma_semaphore, #tpu.memory_space<semaphore_mem>>) src(%dma_wait3A_174 : memref<96xi32, #tpu.memory_space<hbm>>) dst(%arg10 : memref<96xi32, #tpu.memory_space<vmem>>)
      tpu.yield
    }) : () -> ()
    %dma_start3A_129 = arith.constant 0 : i32
    %dma_start3A_130 = arith.constant 0 : i32
    %dma_start3A_131 = tpu.memref_slice %arg12[%dma_start3A_129, %dma_start3A_130] : memref<200x64xf32, #tpu.memory_space<vmem>> -> memref<104x64xf32, #tpu.memory_space<vmem>>
    %dma_start3A_132 = arith.constant 0 : i32
    %dma_start3A_133 = arith.constant 0 : i32
    %dma_start3A_134 = tpu.memref_slice %arg3[%dma_start3A_132, %dma_start3A_133] : memref<1000000x64xf32, #tpu.memory_space<hbm>> -> memref<1000000x64xf32, #tpu.memory_space<hbm>>
    tpu.enqueue_indirect_dma source(%dma_start3A_134 : memref<1000000x64xf32, #tpu.memory_space<hbm>>) target(%dma_start3A_131 : memref<104x64xf32, #tpu.memory_space<vmem>>) offsets(%arg8 : memref<104xi32, #tpu.memory_space<vmem>>) semaphore(%arg16 : memref<!tpu.dma_semaphore, #tpu.memory_space<semaphore_mem>>)
    %dma_start3A_135 = arith.constant 104 : i32
    %dma_start3A_136 = arith.constant 0 : i32
    %dma_start3A_137 = tpu.memref_slice %arg12[%dma_start3A_135, %dma_start3A_136] : memref<200x64xf32, #tpu.memory_space<vmem>> -> memref<96x64xf32, #tpu.memory_space<vmem>>
    %dma_start3A_138 = arith.constant 0 : i32
    %dma_start3A_139 = arith.constant 0 : i32
    %dma_start3A_140 = tpu.memref_slice %arg3[%dma_start3A_138, %dma_start3A_139] : memref<1000000x64xf32, #tpu.memory_space<hbm>> -> memref<1000000x64xf32, #tpu.memory_space<hbm>>
    tpu.enqueue_indirect_dma source(%dma_start3A_140 : memref<1000000x64xf32, #tpu.memory_space<hbm>>) target(%dma_start3A_137 : memref<96x64xf32, #tpu.memory_space<vmem>>) offsets(%arg10 : memref<96xi32, #tpu.memory_space<vmem>>) semaphore(%arg16 : memref<!tpu.dma_semaphore, #tpu.memory_space<semaphore_mem>>)
    %scan3A_141 = arith.constant 0 : i32
    %scan3A_142 = arith.constant 1 : i32
    %scan3A_143 = arith.constant 15 : i32
    %scan3A_144 = arith.addi %scan3A_142, %scan3A_143 : i32
    %scan3A_145 = arith.constant 1 : i32
    scf.for %scan3A_171 = %scan3A_142 to %scan3A_144 step %scan3A_145  : i32 {
      %mul3A_172 = arith.constant 2 : i32
      %mul3A_173 = arith.muli %mul3A_172, %scan3A_171 : i32
      %add3A_174 = arith.constant 0 : i32
      %add3A_175 = arith.addi %mul3A_173, %add3A_174 : i32
      %dma_wait3A_176 = arith.constant 0 : i32
      %dma_wait3A_177 = arith.constant 0 : i32
      %dma_wait3A_178 = tpu.memref_slice %arg11[%dma_wait3A_176, %dma_wait3A_177] : memref<200x64xf32, #tpu.memory_space<vmem>> -> memref<104x64xf32, #tpu.memory_space<vmem>>
      %dma_wait3A_179 = arith.constant 0 : i32
      %dma_wait3A_180 = arith.constant 0 : i32
      %dma_wait3A_181 = tpu.memref_slice %arg3[%dma_wait3A_179, %dma_wait3A_180] : memref<1000000x64xf32, #tpu.memory_space<hbm>> -> memref<1000000x64xf32, #tpu.memory_space<hbm>>
      tpu.wait_indirect_dma semaphore(%arg15 : memref<!tpu.dma_semaphore, #tpu.memory_space<semaphore_mem>>) src(%dma_wait3A_181 : memref<1000000x64xf32, #tpu.memory_space<hbm>>) dst(%dma_wait3A_178 : memref<104x64xf32, #tpu.memory_space<vmem>>)
      %dma_wait3A_182 = arith.constant 104 : i32
      %dma_wait3A_183 = arith.constant 0 : i32
      %dma_wait3A_184 = tpu.memref_slice %arg11[%dma_wait3A_182, %dma_wait3A_183] : memref<200x64xf32, #tpu.memory_space<vmem>> -> memref<96x64xf32, #tpu.memory_space<vmem>>
      %dma_wait3A_185 = arith.constant 0 : i32
      %dma_wait3A_186 = arith.constant 0 : i32
      %dma_wait3A_187 = tpu.memref_slice %arg3[%dma_wait3A_185, %dma_wait3A_186] : memref<1000000x64xf32, #tpu.memory_space<hbm>> -> memref<1000000x64xf32, #tpu.memory_space<hbm>>
      tpu.wait_indirect_dma semaphore(%arg15 : memref<!tpu.dma_semaphore, #tpu.memory_space<semaphore_mem>>) src(%dma_wait3A_187 : memref<1000000x64xf32, #tpu.memory_space<hbm>>) dst(%dma_wait3A_184 : memref<96x64xf32, #tpu.memory_space<vmem>>)
      %sub3A = arith.constant 2 : i32
      %sub3A_188 = arith.subi %add3A_175, %sub3A : i32
      %mul3A_189 = arith.constant 32 : i32
      %mul3A_190 = arith.muli %add3A, %mul3A_189 : i32
      %add3A_191 = arith.addi %mul3A_190, %sub3A_188 : i32
      %dma_wait3A_192 = arith.constant 0 : i32
      %dma_wait3A_193 = arith.constant 0 : i32
      %dma_wait3A_194 = tpu.memref_slice %arg5[%add3A_191, %dma_wait3A_192, %dma_wait3A_193] : memref<1024x200x64xf32, #tpu.memory_space<hbm>> -> memref<1x200x64xf32, #tpu.memory_space<hbm>>
      %dma_wait3A_195 = tpu.memref_squeeze %dma_wait3A_194 : memref<1x200x64xf32, #tpu.memory_space<hbm>> -> memref<200x64xf32, #tpu.memory_space<hbm>>
      %dma_wait3A_196 = arith.constant 0 : i32
      %dma_wait3A_197 = arith.constant 0 : i32
      %dma_wait3A_198 = tpu.memref_slice %arg5[%add3A_191, %dma_wait3A_196, %dma_wait3A_197] : memref<1024x200x64xf32, #tpu.memory_space<hbm>> -> memref<1x200x64xf32, #tpu.memory_space<hbm>>
      %dma_wait3A_199 = tpu.memref_squeeze %dma_wait3A_198 : memref<1x200x64xf32, #tpu.memory_space<hbm>> -> memref<200x64xf32, #tpu.memory_space<hbm>>
      tpu.wait_dma2 semaphore(%arg17 : memref<!tpu.dma_semaphore, #tpu.memory_space<semaphore_mem>>) src(%arg13 : memref<200x64xf32, #tpu.memory_space<vmem>>) dst(%dma_wait3A_199 : memref<200x64xf32, #tpu.memory_space<hbm>>)
      %scan3A_200 = arith.constant 0 : i32
      %scan3A_201 = arith.constant 0 : i32
      %scan3A_202 = arith.constant 100 : i32
      %scan3A_203 = arith.addi %scan3A_201, %scan3A_202 : i32
      %scan3A_204 = arith.constant 1 : i32
      scf.for %scan3A_270 = %scan3A_201 to %scan3A_203 step %scan3A_204  : i32 {
        %mul3A_271 = arith.constant 2 : i32
        %mul3A_272 = arith.muli %scan3A_270, %mul3A_271 : i32
        %add3A_273 = arith.constant 0 : i32
        %add3A_274 = arith.addi %mul3A_272, %add3A_273 : i32
        %get3A = arith.index_cast %add3A_274 : i32 to index
        %get3A_275 = arith.constant 0 : index
        %get3A_276 = tpu.vector_load %arg11[%get3A, %get3A_275] {strides = array<i32>} : memref<200x64xf32, #tpu.memory_space<vmem>>, vector<1x16xf32>,
        %get3A_277 = vector.shape_cast %get3A_276 : vector<1x16xf32> to vector<16xf32>
        %mul3A_278 = arith.constant 8.000000e+00 : f32
        %mul3A_279 = vector.broadcast %mul3A_278 : f32 to vector<16xf32>
        %mul3A_280 = arith.mulf %get3A_277, %mul3A_279 : vector<16xf32>
        %get3A_281 = arith.index_cast %add3A_274 : i32 to index
        %get3A_282 = arith.constant 0 : index
        %get3A_283 = tpu.vector_load %arg6[%get3A_281, %get3A_282] {strides = array<i32>} : memref<200x64xf32, #tpu.memory_space<vmem>>, vector<1x16xf32>,
        %get3A_284 = vector.shape_cast %get3A_283 : vector<1x16xf32> to vector<16xf32>
        %add3A_285 = arith.addf %mul3A_280, %get3A_284 : vector<16xf32>
        %swap3A = arith.index_cast %add3A_274 : i32 to index
        %swap3A_286 = arith.constant 0 : index
        %swap3A_287 = tpu.vector_load %arg13[%swap3A, %swap3A_286] {strides = array<i32>} : memref<200x64xf32, #tpu.memory_space<vmem>>, vector<1x16xf32>,
        %swap3A_288 = vector.shape_cast %swap3A_287 : vector<1x16xf32> to vector<16xf32>
        %swap3A_289 = vector.shape_cast %add3A_285 : vector<16xf32> to vector<1x16xf32>
        tpu.vector_store %arg13[%swap3A, %swap3A_286], %swap3A_289 {strides = array<i32>} : memref<200x64xf32, #tpu.memory_space<vmem>>, vector<1x16xf32>,
        %get3A_290 = arith.index_cast %add3A_274 : i32 to index
        %get3A_291 = arith.constant 16 : index
        %get3A_292 = tpu.vector_load %arg11[%get3A_290, %get3A_291] {strides = array<i32>} : memref<200x64xf32, #tpu.memory_space<vmem>>, vector<1x16xf32>,
        %get3A_293 = vector.shape_cast %get3A_292 : vector<1x16xf32> to vector<16xf32>
        %mul3A_294 = arith.constant 8.000000e+00 : f32
        %mul3A_295 = vector.broadcast %mul3A_294 : f32 to vector<16xf32>
        %mul3A_296 = arith.mulf %get3A_293, %mul3A_295 : vector<16xf32>
        %get3A_297 = arith.index_cast %add3A_274 : i32 to index
        %get3A_298 = arith.constant 16 : index
        %get3A_299 = tpu.vector_load %arg6[%get3A_297, %get3A_298] {strides = array<i32>} : memref<200x64xf32, #tpu.memory_space<vmem>>, vector<1x16xf32>,
        %get3A_300 = vector.shape_cast %get3A_299 : vector<1x16xf32> to vector<16xf32>
        %add3A_301 = arith.addf %mul3A_296, %get3A_300 : vector<16xf32>
        %swap3A_302 = arith.index_cast %add3A_274 : i32 to index
        %swap3A_303 = arith.constant 16 : index
        %swap3A_304 = tpu.vector_load %arg13[%swap3A_302, %swap3A_303] {strides = array<i32>} : memref<200x64xf32, #tpu.memory_space<vmem>>, vector<1x16xf32>,
        %swap3A_305 = vector.shape_cast %swap3A_304 : vector<1x16xf32> to vector<16xf32>
        %swap3A_306 = vector.shape_cast %add3A_301 : vector<16xf32> to vector<1x16xf32>
        tpu.vector_store %arg13[%swap3A_302, %swap3A_303], %swap3A_306 {strides = array<i32>} : memref<200x64xf32, #tpu.memory_space<vmem>>, vector<1x16xf32>,
        %get3A_307 = arith.index_cast %add3A_274 : i32 to index
        %get3A_308 = arith.constant 32 : index
        %get3A_309 = tpu.vector_load %arg11[%get3A_307, %get3A_308] {strides = array<i32>} : memref<200x64xf32, #tpu.memory_space<vmem>>, vector<1x16xf32>,
        %get3A_310 = vector.shape_cast %get3A_309 : vector<1x16xf32> to vector<16xf32>
        %mul3A_311 = arith.constant 8.000000e+00 : f32
        %mul3A_312 = vector.broadcast %mul3A_311 : f32 to vector<16xf32>
        %mul3A_313 = arith.mulf %get3A_310, %mul3A_312 : vector<16xf32>
        %get3A_314 = arith.index_cast %add3A_274 : i32 to index
        %get3A_315 = arith.constant 32 : index
        %get3A_316 = tpu.vector_load %arg6[%get3A_314, %get3A_315] {strides = array<i32>} : memref<200x64xf32, #tpu.memory_space<vmem>>, vector<1x16xf32>,
        %get3A_317 = vector.shape_cast %get3A_316 : vector<1x16xf32> to vector<16xf32>
        %add3A_318 = arith.addf %mul3A_313, %get3A_317 : vector<16xf32>
        %swap3A_319 = arith.index_cast %add3A_274 : i32 to index
        %swap3A_320 = arith.constant 32 : index
        %swap3A_321 = tpu.vector_load %arg13[%swap3A_319, %swap3A_320] {strides = array<i32>} : memref<200x64xf32, #tpu.memory_space<vmem>>, vector<1x16xf32>,
        %swap3A_322 = vector.shape_cast %swap3A_321 : vector<1x16xf32> to vector<16xf32>
        %swap3A_323 = vector.shape_cast %add3A_318 : vector<16xf32> to vector<1x16xf32>
        tpu.vector_store %arg13[%swap3A_319, %swap3A_320], %swap3A_323 {strides = array<i32>} : memref<200x64xf32, #tpu.memory_space<vmem>>, vector<1x16xf32>,
        %get3A_324 = arith.index_cast %add3A_274 : i32 to index
        %get3A_325 = arith.constant 48 : index
        %get3A_326 = tpu.vector_load %arg11[%get3A_324, %get3A_325] {strides = array<i32>} : memref<200x64xf32, #tpu.memory_space<vmem>>, vector<1x16xf32>,
        %get3A_327 = vector.shape_cast %get3A_326 : vector<1x16xf32> to vector<16xf32>
        %mul3A_328 = arith.constant 8.000000e+00 : f32
        %mul3A_329 = vector.broadcast %mul3A_328 : f32 to vector<16xf32>
        %mul3A_330 = arith.mulf %get3A_327, %mul3A_329 : vector<16xf32>
        %get3A_331 = arith.index_cast %add3A_274 : i32 to index
        %get3A_332 = arith.constant 48 : index
        %get3A_333 = tpu.vector_load %arg6[%get3A_331, %get3A_332] {strides = array<i32>} : memref<200x64xf32, #tpu.memory_space<vmem>>, vector<1x16xf32>,
        %get3A_334 = vector.shape_cast %get3A_333 : vector<1x16xf32> to vector<16xf32>
        %add3A_335 = arith.addf %mul3A_330, %get3A_334 : vector<16xf32>
        %swap3A_336 = arith.index_cast %add3A_274 : i32 to index
        %swap3A_337 = arith.constant 48 : index
        %swap3A_338 = tpu.vector_load %arg13[%swap3A_336, %swap3A_337] {strides = array<i32>} : memref<200x64xf32, #tpu.memory_space<vmem>>, vector<1x16xf32>,
        %swap3A_339 = vector.shape_cast %swap3A_338 : vector<1x16xf32> to vector<16xf32>
        %swap3A_340 = vector.shape_cast %add3A_335 : vector<16xf32> to vector<1x16xf32>
        tpu.vector_store %arg13[%swap3A_336, %swap3A_337], %swap3A_340 {strides = array<i32>} : memref<200x64xf32, #tpu.memory_space<vmem>>, vector<1x16xf32>,
        %mul3A_341 = arith.constant 2 : i32
        %mul3A_342 = arith.muli %scan3A_270, %mul3A_341 : i32
        %add3A_343 = arith.constant 1 : i32
        %add3A_344 = arith.addi %mul3A_342, %add3A_343 : i32
        %get3A_345 = arith.index_cast %add3A_344 : i32 to index
        %get3A_346 = arith.constant 0 : index
        %get3A_347 = tpu.vector_load %arg11[%get3A_345, %get3A_346] {strides = array<i32>} : memref<200x64xf32, #tpu.memory_space<vmem>>, vector<1x16xf32>,
        %get3A_348 = vector.shape_cast %get3A_347 : vector<1x16xf32> to vector<16xf32>
        %mul3A_349 = arith.constant 8.000000e+00 : f32
        %mul3A_350 = vector.broadcast %mul3A_349 : f32 to vector<16xf32>
        %mul3A_351 = arith.mulf %get3A_348, %mul3A_350 : vector<16xf32>
        %get3A_352 = arith.index_cast %add3A_344 : i32 to index
        %get3A_353 = arith.constant 0 : index
        %get3A_354 = tpu.vector_load %arg6[%get3A_352, %get3A_353] {strides = array<i32>} : memref<200x64xf32, #tpu.memory_space<vmem>>, vector<1x16xf32>,
        %get3A_355 = vector.shape_cast %get3A_354 : vector<1x16xf32> to vector<16xf32>
        %add3A_356 = arith.addf %mul3A_351, %get3A_355 : vector<16xf32>
        %swap3A_357 = arith.index_cast %add3A_344 : i32 to index
        %swap3A_358 = arith.constant 0 : index
        %swap3A_359 = tpu.vector_load %arg13[%swap3A_357, %swap3A_358] {strides = array<i32>} : memref<200x64xf32, #tpu.memory_space<vmem>>, vector<1x16xf32>,
        %swap3A_360 = vector.shape_cast %swap3A_359 : vector<1x16xf32> to vector<16xf32>
        %swap3A_361 = vector.shape_cast %add3A_356 : vector<16xf32> to vector<1x16xf32>
        tpu.vector_store %arg13[%swap3A_357, %swap3A_358], %swap3A_361 {strides = array<i32>} : memref<200x64xf32, #tpu.memory_space<vmem>>, vector<1x16xf32>,
        %get3A_362 = arith.index_cast %add3A_344 : i32 to index
        %get3A_363 = arith.constant 16 : index
        %get3A_364 = tpu.vector_load %arg11[%get3A_362, %get3A_363] {strides = array<i32>} : memref<200x64xf32, #tpu.memory_space<vmem>>, vector<1x16xf32>,
        %get3A_365 = vector.shape_cast %get3A_364 : vector<1x16xf32> to vector<16xf32>
        %mul3A_366 = arith.constant 8.000000e+00 : f32
        %mul3A_367 = vector.broadcast %mul3A_366 : f32 to vector<16xf32>
        %mul3A_368 = arith.mulf %get3A_365, %mul3A_367 : vector<16xf32>
        %get3A_369 = arith.index_cast %add3A_344 : i32 to index
        %get3A_370 = arith.constant 16 : index
        %get3A_371 = tpu.vector_load %arg6[%get3A_369, %get3A_370] {strides = array<i32>} : memref<200x64xf32, #tpu.memory_space<vmem>>, vector<1x16xf32>,
        %get3A_372 = vector.shape_cast %get3A_371 : vector<1x16xf32> to vector<16xf32>
        %add3A_373 = arith.addf %mul3A_368, %get3A_372 : vector<16xf32>
        %swap3A_374 = arith.index_cast %add3A_344 : i32 to index
        %swap3A_375 = arith.constant 16 : index
        %swap3A_376 = tpu.vector_load %arg13[%swap3A_374, %swap3A_375] {strides = array<i32>} : memref<200x64xf32, #tpu.memory_space<vmem>>, vector<1x16xf32>,
        %swap3A_377 = vector.shape_cast %swap3A_376 : vector<1x16xf32> to vector<16xf32>
        %swap3A_378 = vector.shape_cast %add3A_373 : vector<16xf32> to vector<1x16xf32>
        tpu.vector_store %arg13[%swap3A_374, %swap3A_375], %swap3A_378 {strides = array<i32>} : memref<200x64xf32, #tpu.memory_space<vmem>>, vector<1x16xf32>,
        %get3A_379 = arith.index_cast %add3A_344 : i32 to index
        %get3A_380 = arith.constant 32 : index
        %get3A_381 = tpu.vector_load %arg11[%get3A_379, %get3A_380] {strides = array<i32>} : memref<200x64xf32, #tpu.memory_space<vmem>>, vector<1x16xf32>,
        %get3A_382 = vector.shape_cast %get3A_381 : vector<1x16xf32> to vector<16xf32>
        %mul3A_383 = arith.constant 8.000000e+00 : f32
        %mul3A_384 = vector.broadcast %mul3A_383 : f32 to vector<16xf32>
        %mul3A_385 = arith.mulf %get3A_382, %mul3A_384 : vector<16xf32>
        %get3A_386 = arith.index_cast %add3A_344 : i32 to index
        %get3A_387 = arith.constant 32 : index
        %get3A_388 = tpu.vector_load %arg6[%get3A_386, %get3A_387] {strides = array<i32>} : memref<200x64xf32, #tpu.memory_space<vmem>>, vector<1x16xf32>,
        %get3A_389 = vector.shape_cast %get3A_388 : vector<1x16xf32> to vector<16xf32>
        %add3A_390 = arith.addf %mul3A_385, %get3A_389 : vector<16xf32>
        %swap3A_391 = arith.index_cast %add3A_344 : i32 to index
        %swap3A_392 = arith.constant 32 : index
        %swap3A_393 = tpu.vector_load %arg13[%swap3A_391, %swap3A_392] {strides = array<i32>} : memref<200x64xf32, #tpu.memory_space<vmem>>, vector<1x16xf32>,
        %swap3A_394 = vector.shape_cast %swap3A_393 : vector<1x16xf32> to vector<16xf32>
        %swap3A_395 = vector.shape_cast %add3A_390 : vector<16xf32> to vector<1x16xf32>
        tpu.vector_store %arg13[%swap3A_391, %swap3A_392], %swap3A_395 {strides = array<i32>} : memref<200x64xf32, #tpu.memory_space<vmem>>, vector<1x16xf32>,
        %get3A_396 = arith.index_cast %add3A_344 : i32 to index
        %get3A_397 = arith.constant 48 : index
        %get3A_398 = tpu.vector_load %arg11[%get3A_396, %get3A_397] {strides = array<i32>} : memref<200x64xf32, #tpu.memory_space<vmem>>, vector<1x16xf32>,
        %get3A_399 = vector.shape_cast %get3A_398 : vector<1x16xf32> to vector<16xf32>
        %mul3A_400 = arith.constant 8.000000e+00 : f32
        %mul3A_401 = vector.broadcast %mul3A_400 : f32 to vector<16xf32>
        %mul3A_402 = arith.mulf %get3A_399, %mul3A_401 : vector<16xf32>
        %get3A_403 = arith.index_cast %add3A_344 : i32 to index
        %get3A_404 = arith.constant 48 : index
        %get3A_405 = tpu.vector_load %arg6[%get3A_403, %get3A_404] {strides = array<i32>} : memref<200x64xf32, #tpu.memory_space<vmem>>, vector<1x16xf32>,
        %get3A_406 = vector.shape_cast %get3A_405 : vector<1x16xf32> to vector<16xf32>
        %add3A_407 = arith.addf %mul3A_402, %get3A_406 : vector<16xf32>
        %swap3A_408 = arith.index_cast %add3A_344 : i32 to index
        %swap3A_409 = arith.constant 48 : index
        %swap3A_410 = tpu.vector_load %arg13[%swap3A_408, %swap3A_409] {strides = array<i32>} : memref<200x64xf32, #tpu.memory_space<vmem>>, vector<1x16xf32>,
        %swap3A_411 = vector.shape_cast %swap3A_410 : vector<1x16xf32> to vector<16xf32>
        %swap3A_412 = vector.shape_cast %add3A_407 : vector<16xf32> to vector<1x16xf32>
        tpu.vector_store %arg13[%swap3A_408, %swap3A_409], %swap3A_412 {strides = array<i32>} : memref<200x64xf32, #tpu.memory_space<vmem>>, vector<1x16xf32>,
      }
      %scan3A_205 = arith.constant 100 : i32
      %mul3A_206 = arith.constant 32 : i32
      %mul3A_207 = arith.muli %add3A, %mul3A_206 : i32
      %add3A_208 = arith.addi %mul3A_207, %add3A_175 : i32
      %dma_start3A_209 = arith.constant 0 : i32
      %dma_start3A_210 = arith.constant 0 : i32
      %dma_start3A_211 = tpu.memref_slice %arg5[%add3A_208, %dma_start3A_209, %dma_start3A_210] : memref<1024x200x64xf32, #tpu.memory_space<hbm>> -> memref<1x200x64xf32, #tpu.memory_space<hbm>>
      %dma_start3A_212 = tpu.memref_squeeze %dma_start3A_211 : memref<1x200x64xf32, #tpu.memory_space<hbm>> -> memref<200x64xf32, #tpu.memory_space<hbm>>
      %dma_start3A_213 = arith.constant 0 : i32
      %dma_start3A_214 = arith.constant 0 : i32
      %dma_start3A_215 = tpu.memref_slice %arg5[%add3A_208, %dma_start3A_213, %dma_start3A_214] : memref<1024x200x64xf32, #tpu.memory_space<hbm>> -> memref<1x200x64xf32, #tpu.memory_space<hbm>>
      %dma_start3A_216 = tpu.memref_squeeze %dma_start3A_215 : memref<1x200x64xf32, #tpu.memory_space<hbm>> -> memref<200x64xf32, #tpu.memory_space<hbm>>
      tpu.enqueue_dma source(%arg13 : memref<200x64xf32, #tpu.memory_space<vmem>>) target(%dma_start3A_216 : memref<200x64xf32, #tpu.memory_space<hbm>>) target_semaphore(%arg17 : memref<!tpu.dma_semaphore, #tpu.memory_space<semaphore_mem>>)
      %lt3A = arith.constant 15 : i32
      %lt3A_217 = arith.cmpi slt, %scan3A_171, %lt3A : i32
      %convert_element_type3A = arith.extui %lt3A_217 : i1 to i32
      %cond3A = arith.constant 0 : i32
      %cond3A_218 = arith.cmpi ne, %convert_element_type3A, %cond3A : i32
      scf.if %cond3A_218 {
        %add3A_270 = arith.constant 2 : i32
        %add3A_271 = arith.addi %add3A_175, %add3A_270 : i32
        %mul3A_272 = arith.constant 32 : i32
        %mul3A_273 = arith.muli %add3A, %mul3A_272 : i32
        %add3A_274 = arith.addi %mul3A_273, %add3A_271 : i32
        %mul3A_275 = arith.constant 200 : i32
        %mul3A_276 = arith.muli %add3A_274, %mul3A_275 : i32
        %multiple_of3A_277 = tpu.assume_multiple %mul3A_276, 8 : i32
        "tpu.region"() ({
          %run_scoped3A = tpu.sem_alloc : memref<!tpu.dma_semaphore, #tpu.memory_space<semaphore_mem>>
          %dma_start3A_292 = tpu.memref_slice %arg2[%multiple_of3A_277] : memref<204800xi32, #tpu.memory_space<hbm>> -> memref<104xi32, #tpu.memory_space<hbm>>
          %dma_start3A_293 = tpu.memref_slice %arg2[%multiple_of3A_277] : memref<204800xi32, #tpu.memory_space<hbm>> -> memref<104xi32, #tpu.memory_space<hbm>>
          tpu.enqueue_dma source(%dma_start3A_293 : memref<104xi32, #tpu.memory_space<hbm>>) target(%arg7 : memref<104xi32, #tpu.memory_space<vmem>>) target_semaphore(%run_scoped3A : memref<!tpu.dma_semaphore, #tpu.memory_space<semaphore_mem>>)
          %dma_wait3A_294 = tpu.memref_slice %arg2[%multiple_of3A_277] : memref<204800xi32, #tpu.memory_space<hbm>> -> memref<104xi32, #tpu.memory_space<hbm>>
          %dma_wait3A_295 = tpu.memref_slice %arg2[%multiple_of3A_277] : memref<204800xi32, #tpu.memory_space<hbm>> -> memref<104xi32, #tpu.memory_space<hbm>>
          tpu.wait_dma2 semaphore(%run_scoped3A : memref<!tpu.dma_semaphore, #tpu.memory_space<semaphore_mem>>) src(%dma_wait3A_295 : memref<104xi32, #tpu.memory_space<hbm>>) dst(%arg7 : memref<104xi32, #tpu.memory_space<vmem>>)
          tpu.yield
        }) : () -> ()
        %add3A_278 = arith.constant 104 : i32
        %add3A_279 = arith.addi %multiple_of3A_277, %add3A_278 : i32
        "tpu.region"() ({
          %run_scoped3A = tpu.sem_alloc : memref<!tpu.dma_semaphore, #tpu.memory_space<semaphore_mem>>
          %dma_start3A_292 = tpu.memref_slice %arg2[%add3A_279] : memref<204800xi32, #tpu.memory_space<hbm>> -> memref<96xi32, #tpu.memory_space<hbm>>
          %dma_start3A_293 = tpu.memref_slice %arg2[%add3A_279] : memref<204800xi32, #tpu.memory_space<hbm>> -> memref<96xi32, #tpu.memory_space<hbm>>
          tpu.enqueue_dma source(%dma_start3A_293 : memref<96xi32, #tpu.memory_space<hbm>>) target(%arg9 : memref<96xi32, #tpu.memory_space<vmem>>) target_semaphore(%run_scoped3A : memref<!tpu.dma_semaphore, #tpu.memory_space<semaphore_mem>>)
          %dma_wait3A_294 = tpu.memref_slice %arg2[%add3A_279] : memref<204800xi32, #tpu.memory_space<hbm>> -> memref<96xi32, #tpu.memory_space<hbm>>
          %dma_wait3A_295 = tpu.memref_slice %arg2[%add3A_279] : memref<204800xi32, #tpu.memory_space<hbm>> -> memref<96xi32, #tpu.memory_space<hbm>>
          tpu.wait_dma2 semaphore(%run_scoped3A : memref<!tpu.dma_semaphore, #tpu.memory_space<semaphore_mem>>) src(%dma_wait3A_295 : memref<96xi32, #tpu.memory_space<hbm>>) dst(%arg9 : memref<96xi32, #tpu.memory_space<vmem>>)
          tpu.yield
        }) : () -> ()
        %dma_start3A_280 = arith.constant 0 : i32
        %dma_start3A_281 = arith.constant 0 : i32
        %dma_start3A_282 = tpu.memref_slice %arg11[%dma_start3A_280, %dma_start3A_281] : memref<200x64xf32, #tpu.memory_space<vmem>> -> memref<104x64xf32, #tpu.memory_space<vmem>>
        %dma_start3A_283 = arith.constant 0 : i32
        %dma_start3A_284 = arith.constant 0 : i32
        %dma_start3A_285 = tpu.memref_slice %arg3[%dma_start3A_283, %dma_start3A_284] : memref<1000000x64xf32, #tpu.memory_space<hbm>> -> memref<1000000x64xf32, #tpu.memory_space<hbm>>
        tpu.enqueue_indirect_dma source(%dma_start3A_285 : memref<1000000x64xf32, #tpu.memory_space<hbm>>) target(%dma_start3A_282 : memref<104x64xf32, #tpu.memory_space<vmem>>) offsets(%arg7 : memref<104xi32, #tpu.memory_space<vmem>>) semaphore(%arg15 : memref<!tpu.dma_semaphore, #tpu.memory_space<semaphore_mem>>)
        %dma_start3A_286 = arith.constant 104 : i32
        %dma_start3A_287 = arith.constant 0 : i32
        %dma_start3A_288 = tpu.memref_slice %arg11[%dma_start3A_286, %dma_start3A_287] : memref<200x64xf32, #tpu.memory_space<vmem>> -> memref<96x64xf32, #tpu.memory_space<vmem>>
        %dma_start3A_289 = arith.constant 0 : i32
        %dma_start3A_290 = arith.constant 0 : i32
        %dma_start3A_291 = tpu.memref_slice %arg3[%dma_start3A_289, %dma_start3A_290] : memref<1000000x64xf32, #tpu.memory_space<hbm>> -> memref<1000000x64xf32, #tpu.memory_space<hbm>>
        tpu.enqueue_indirect_dma source(%dma_start3A_291 : memref<1000000x64xf32, #tpu.memory_space<hbm>>) target(%dma_start3A_288 : memref<96x64xf32, #tpu.memory_space<vmem>>) offsets(%arg9 : memref<96xi32, #tpu.memory_space<vmem>>) semaphore(%arg15 : memref<!tpu.dma_semaphore, #tpu.memory_space<semaphore_mem>>)
      } else {
      }
      %mul3A_219 = arith.constant 2 : i32
      %mul3A_220 = arith.muli %mul3A_219, %scan3A_171 : i32
      %add3A_221 = arith.constant 1 : i32
      %add3A_222 = arith.addi %mul3A_220, %add3A_221 : i32
      %dma_wait3A_223 = arith.constant 0 : i32
      %dma_wait3A_224 = arith.constant 0 : i32
      %dma_wait3A_225 = tpu.memref_slice %arg12[%dma_wait3A_223, %dma_wait3A_224] : memref<200x64xf32, #tpu.memory_space<vmem>> -> memref<104x64xf32, #tpu.memory_space<vmem>>
      %dma_wait3A_226 = arith.constant 0 : i32
      %dma_wait3A_227 = arith.constant 0 : i32
      %dma_wait3A_228 = tpu.memref_slice %arg3[%dma_wait3A_226, %dma_wait3A_227] : memref<1000000x64xf32, #tpu.memory_space<hbm>> -> memref<1000000x64xf32, #tpu.memory_space<hbm>>
      tpu.wait_indirect_dma semaphore(%arg16 : memref<!tpu.dma_semaphore, #tpu.memory_space<semaphore_mem>>) src(%dma_wait3A_228 : memref<1000000x64xf32, #tpu.memory_space<hbm>>) dst(%dma_wait3A_225 : memref<104x64xf32, #tpu.memory_space<vmem>>)
      %dma_wait3A_229 = arith.constant 104 : i32
      %dma_wait3A_230 = arith.constant 0 : i32
      %dma_wait3A_231 = tpu.memref_slice %arg12[%dma_wait3A_229, %dma_wait3A_230] : memref<200x64xf32, #tpu.memory_space<vmem>> -> memref<96x64xf32, #tpu.memory_space<vmem>>
      %dma_wait3A_232 = arith.constant 0 : i32
      %dma_wait3A_233 = arith.constant 0 : i32
      %dma_wait3A_234 = tpu.memref_slice %arg3[%dma_wait3A_232, %dma_wait3A_233] : memref<1000000x64xf32, #tpu.memory_space<hbm>> -> memref<1000000x64xf32, #tpu.memory_space<hbm>>
      tpu.wait_indirect_dma semaphore(%arg16 : memref<!tpu.dma_semaphore, #tpu.memory_space<semaphore_mem>>) src(%dma_wait3A_234 : memref<1000000x64xf32, #tpu.memory_space<hbm>>) dst(%dma_wait3A_231 : memref<96x64xf32, #tpu.memory_space<vmem>>)
      %sub3A_235 = arith.constant 2 : i32
      %sub3A_236 = arith.subi %add3A_222, %sub3A_235 : i32
      %mul3A_237 = arith.constant 32 : i32
      %mul3A_238 = arith.muli %add3A, %mul3A_237 : i32
      %add3A_239 = arith.addi %mul3A_238, %sub3A_236 : i32
      %dma_wait3A_240 = arith.constant 0 : i32
      %dma_wait3A_241 = arith.constant 0 : i32
      %dma_wait3A_242 = tpu.memref_slice %arg5[%add3A_239, %dma_wait3A_240, %dma_wait3A_241] : memref<1024x200x64xf32, #tpu.memory_space<hbm>> -> memref<1x200x64xf32, #tpu.memory_space<hbm>>
      %dma_wait3A_243 = tpu.memref_squeeze %dma_wait3A_242 : memref<1x200x64xf32, #tpu.memory_space<hbm>> -> memref<200x64xf32, #tpu.memory_space<hbm>>
      %dma_wait3A_244 = arith.constant 0 : i32
      %dma_wait3A_245 = arith.constant 0 : i32
      %dma_wait3A_246 = tpu.memref_slice %arg5[%add3A_239, %dma_wait3A_244, %dma_wait3A_245] : memref<1024x200x64xf32, #tpu.memory_space<hbm>> -> memref<1x200x64xf32, #tpu.memory_space<hbm>>
      %dma_wait3A_247 = tpu.memref_squeeze %dma_wait3A_246 : memref<1x200x64xf32, #tpu.memory_space<hbm>> -> memref<200x64xf32, #tpu.memory_space<hbm>>
      tpu.wait_dma2 semaphore(%arg18 : memref<!tpu.dma_semaphore, #tpu.memory_space<semaphore_mem>>) src(%arg14 : memref<200x64xf32, #tpu.memory_space<vmem>>) dst(%dma_wait3A_247 : memref<200x64xf32, #tpu.memory_space<hbm>>)
      %scan3A_248 = arith.constant 0 : i32
      %scan3A_249 = arith.constant 0 : i32
      %scan3A_250 = arith.constant 100 : i32
      %scan3A_251 = arith.addi %scan3A_249, %scan3A_250 : i32
      %scan3A_252 = arith.constant 1 : i32
      scf.for %scan3A_270 = %scan3A_249 to %scan3A_251 step %scan3A_252  : i32 {
        %mul3A_271 = arith.constant 2 : i32
        %mul3A_272 = arith.muli %scan3A_270, %mul3A_271 : i32
        %add3A_273 = arith.constant 0 : i32
        %add3A_274 = arith.addi %mul3A_272, %add3A_273 : i32
        %get3A = arith.index_cast %add3A_274 : i32 to index
        %get3A_275 = arith.constant 0 : index
        %get3A_276 = tpu.vector_load %arg12[%get3A, %get3A_275] {strides = array<i32>} : memref<200x64xf32, #tpu.memory_space<vmem>>, vector<1x16xf32>,
        %get3A_277 = vector.shape_cast %get3A_276 : vector<1x16xf32> to vector<16xf32>
        %mul3A_278 = arith.constant 8.000000e+00 : f32
        %mul3A_279 = vector.broadcast %mul3A_278 : f32 to vector<16xf32>
        %mul3A_280 = arith.mulf %get3A_277, %mul3A_279 : vector<16xf32>
        %get3A_281 = arith.index_cast %add3A_274 : i32 to index
        %get3A_282 = arith.constant 0 : index
        %get3A_283 = tpu.vector_load %arg6[%get3A_281, %get3A_282] {strides = array<i32>} : memref<200x64xf32, #tpu.memory_space<vmem>>, vector<1x16xf32>,
        %get3A_284 = vector.shape_cast %get3A_283 : vector<1x16xf32> to vector<16xf32>
        %add3A_285 = arith.addf %mul3A_280, %get3A_284 : vector<16xf32>
        %swap3A = arith.index_cast %add3A_274 : i32 to index
        %swap3A_286 = arith.constant 0 : index
        %swap3A_287 = tpu.vector_load %arg14[%swap3A, %swap3A_286] {strides = array<i32>} : memref<200x64xf32, #tpu.memory_space<vmem>>, vector<1x16xf32>,
        %swap3A_288 = vector.shape_cast %swap3A_287 : vector<1x16xf32> to vector<16xf32>
        %swap3A_289 = vector.shape_cast %add3A_285 : vector<16xf32> to vector<1x16xf32>
        tpu.vector_store %arg14[%swap3A, %swap3A_286], %swap3A_289 {strides = array<i32>} : memref<200x64xf32, #tpu.memory_space<vmem>>, vector<1x16xf32>,
        %get3A_290 = arith.index_cast %add3A_274 : i32 to index
        %get3A_291 = arith.constant 16 : index
        %get3A_292 = tpu.vector_load %arg12[%get3A_290, %get3A_291] {strides = array<i32>} : memref<200x64xf32, #tpu.memory_space<vmem>>, vector<1x16xf32>,
        %get3A_293 = vector.shape_cast %get3A_292 : vector<1x16xf32> to vector<16xf32>
        %mul3A_294 = arith.constant 8.000000e+00 : f32
        %mul3A_295 = vector.broadcast %mul3A_294 : f32 to vector<16xf32>
        %mul3A_296 = arith.mulf %get3A_293, %mul3A_295 : vector<16xf32>
        %get3A_297 = arith.index_cast %add3A_274 : i32 to index
        %get3A_298 = arith.constant 16 : index
        %get3A_299 = tpu.vector_load %arg6[%get3A_297, %get3A_298] {strides = array<i32>} : memref<200x64xf32, #tpu.memory_space<vmem>>, vector<1x16xf32>,
        %get3A_300 = vector.shape_cast %get3A_299 : vector<1x16xf32> to vector<16xf32>
        %add3A_301 = arith.addf %mul3A_296, %get3A_300 : vector<16xf32>
        %swap3A_302 = arith.index_cast %add3A_274 : i32 to index
        %swap3A_303 = arith.constant 16 : index
        %swap3A_304 = tpu.vector_load %arg14[%swap3A_302, %swap3A_303] {strides = array<i32>} : memref<200x64xf32, #tpu.memory_space<vmem>>, vector<1x16xf32>,
        %swap3A_305 = vector.shape_cast %swap3A_304 : vector<1x16xf32> to vector<16xf32>
        %swap3A_306 = vector.shape_cast %add3A_301 : vector<16xf32> to vector<1x16xf32>
        tpu.vector_store %arg14[%swap3A_302, %swap3A_303], %swap3A_306 {strides = array<i32>} : memref<200x64xf32, #tpu.memory_space<vmem>>, vector<1x16xf32>,
        %get3A_307 = arith.index_cast %add3A_274 : i32 to index
        %get3A_308 = arith.constant 32 : index
        %get3A_309 = tpu.vector_load %arg12[%get3A_307, %get3A_308] {strides = array<i32>} : memref<200x64xf32, #tpu.memory_space<vmem>>, vector<1x16xf32>,
        %get3A_310 = vector.shape_cast %get3A_309 : vector<1x16xf32> to vector<16xf32>
        %mul3A_311 = arith.constant 8.000000e+00 : f32
        %mul3A_312 = vector.broadcast %mul3A_311 : f32 to vector<16xf32>
        %mul3A_313 = arith.mulf %get3A_310, %mul3A_312 : vector<16xf32>
        %get3A_314 = arith.index_cast %add3A_274 : i32 to index
        %get3A_315 = arith.constant 32 : index
        %get3A_316 = tpu.vector_load %arg6[%get3A_314, %get3A_315] {strides = array<i32>} : memref<200x64xf32, #tpu.memory_space<vmem>>, vector<1x16xf32>,
        %get3A_317 = vector.shape_cast %get3A_316 : vector<1x16xf32> to vector<16xf32>
        %add3A_318 = arith.addf %mul3A_313, %get3A_317 : vector<16xf32>
        %swap3A_319 = arith.index_cast %add3A_274 : i32 to index
        %swap3A_320 = arith.constant 32 : index
        %swap3A_321 = tpu.vector_load %arg14[%swap3A_319, %swap3A_320] {strides = array<i32>} : memref<200x64xf32, #tpu.memory_space<vmem>>, vector<1x16xf32>,
        %swap3A_322 = vector.shape_cast %swap3A_321 : vector<1x16xf32> to vector<16xf32>
        %swap3A_323 = vector.shape_cast %add3A_318 : vector<16xf32> to vector<1x16xf32>
        tpu.vector_store %arg14[%swap3A_319, %swap3A_320], %swap3A_323 {strides = array<i32>} : memref<200x64xf32, #tpu.memory_space<vmem>>, vector<1x16xf32>,
        %get3A_324 = arith.index_cast %add3A_274 : i32 to index
        %get3A_325 = arith.constant 48 : index
        %get3A_326 = tpu.vector_load %arg12[%get3A_324, %get3A_325] {strides = array<i32>} : memref<200x64xf32, #tpu.memory_space<vmem>>, vector<1x16xf32>,
        %get3A_327 = vector.shape_cast %get3A_326 : vector<1x16xf32> to vector<16xf32>
        %mul3A_328 = arith.constant 8.000000e+00 : f32
        %mul3A_329 = vector.broadcast %mul3A_328 : f32 to vector<16xf32>
        %mul3A_330 = arith.mulf %get3A_327, %mul3A_329 : vector<16xf32>
        %get3A_331 = arith.index_cast %add3A_274 : i32 to index
        %get3A_332 = arith.constant 48 : index
        %get3A_333 = tpu.vector_load %arg6[%get3A_331, %get3A_332] {strides = array<i32>} : memref<200x64xf32, #tpu.memory_space<vmem>>, vector<1x16xf32>,
        %get3A_334 = vector.shape_cast %get3A_333 : vector<1x16xf32> to vector<16xf32>
        %add3A_335 = arith.addf %mul3A_330, %get3A_334 : vector<16xf32>
        %swap3A_336 = arith.index_cast %add3A_274 : i32 to index
        %swap3A_337 = arith.constant 48 : index
        %swap3A_338 = tpu.vector_load %arg14[%swap3A_336, %swap3A_337] {strides = array<i32>} : memref<200x64xf32, #tpu.memory_space<vmem>>, vector<1x16xf32>,
        %swap3A_339 = vector.shape_cast %swap3A_338 : vector<1x16xf32> to vector<16xf32>
        %swap3A_340 = vector.shape_cast %add3A_335 : vector<16xf32> to vector<1x16xf32>
        tpu.vector_store %arg14[%swap3A_336, %swap3A_337], %swap3A_340 {strides = array<i32>} : memref<200x64xf32, #tpu.memory_space<vmem>>, vector<1x16xf32>,
        %mul3A_341 = arith.constant 2 : i32
        %mul3A_342 = arith.muli %scan3A_270, %mul3A_341 : i32
        %add3A_343 = arith.constant 1 : i32
        %add3A_344 = arith.addi %mul3A_342, %add3A_343 : i32
        %get3A_345 = arith.index_cast %add3A_344 : i32 to index
        %get3A_346 = arith.constant 0 : index
        %get3A_347 = tpu.vector_load %arg12[%get3A_345, %get3A_346] {strides = array<i32>} : memref<200x64xf32, #tpu.memory_space<vmem>>, vector<1x16xf32>,
        %get3A_348 = vector.shape_cast %get3A_347 : vector<1x16xf32> to vector<16xf32>
        %mul3A_349 = arith.constant 8.000000e+00 : f32
        %mul3A_350 = vector.broadcast %mul3A_349 : f32 to vector<16xf32>
        %mul3A_351 = arith.mulf %get3A_348, %mul3A_350 : vector<16xf32>
        %get3A_352 = arith.index_cast %add3A_344 : i32 to index
        %get3A_353 = arith.constant 0 : index
        %get3A_354 = tpu.vector_load %arg6[%get3A_352, %get3A_353] {strides = array<i32>} : memref<200x64xf32, #tpu.memory_space<vmem>>, vector<1x16xf32>,
        %get3A_355 = vector.shape_cast %get3A_354 : vector<1x16xf32> to vector<16xf32>
        %add3A_356 = arith.addf %mul3A_351, %get3A_355 : vector<16xf32>
        %swap3A_357 = arith.index_cast %add3A_344 : i32 to index
        %swap3A_358 = arith.constant 0 : index
        %swap3A_359 = tpu.vector_load %arg14[%swap3A_357, %swap3A_358] {strides = array<i32>} : memref<200x64xf32, #tpu.memory_space<vmem>>, vector<1x16xf32>,
        %swap3A_360 = vector.shape_cast %swap3A_359 : vector<1x16xf32> to vector<16xf32>
        %swap3A_361 = vector.shape_cast %add3A_356 : vector<16xf32> to vector<1x16xf32>
        tpu.vector_store %arg14[%swap3A_357, %swap3A_358], %swap3A_361 {strides = array<i32>} : memref<200x64xf32, #tpu.memory_space<vmem>>, vector<1x16xf32>,
        %get3A_362 = arith.index_cast %add3A_344 : i32 to index
        %get3A_363 = arith.constant 16 : index
        %get3A_364 = tpu.vector_load %arg12[%get3A_362, %get3A_363] {strides = array<i32>} : memref<200x64xf32, #tpu.memory_space<vmem>>, vector<1x16xf32>,
        %get3A_365 = vector.shape_cast %get3A_364 : vector<1x16xf32> to vector<16xf32>
        %mul3A_366 = arith.constant 8.000000e+00 : f32
        %mul3A_367 = vector.broadcast %mul3A_366 : f32 to vector<16xf32>
        %mul3A_368 = arith.mulf %get3A_365, %mul3A_367 : vector<16xf32>
        %get3A_369 = arith.index_cast %add3A_344 : i32 to index
        %get3A_370 = arith.constant 16 : index
        %get3A_371 = tpu.vector_load %arg6[%get3A_369, %get3A_370] {strides = array<i32>} : memref<200x64xf32, #tpu.memory_space<vmem>>, vector<1x16xf32>,
        %get3A_372 = vector.shape_cast %get3A_371 : vector<1x16xf32> to vector<16xf32>
        %add3A_373 = arith.addf %mul3A_368, %get3A_372 : vector<16xf32>
        %swap3A_374 = arith.index_cast %add3A_344 : i32 to index
        %swap3A_375 = arith.constant 16 : index
        %swap3A_376 = tpu.vector_load %arg14[%swap3A_374, %swap3A_375] {strides = array<i32>} : memref<200x64xf32, #tpu.memory_space<vmem>>, vector<1x16xf32>,
        %swap3A_377 = vector.shape_cast %swap3A_376 : vector<1x16xf32> to vector<16xf32>
        %swap3A_378 = vector.shape_cast %add3A_373 : vector<16xf32> to vector<1x16xf32>
        tpu.vector_store %arg14[%swap3A_374, %swap3A_375], %swap3A_378 {strides = array<i32>} : memref<200x64xf32, #tpu.memory_space<vmem>>, vector<1x16xf32>,
        %get3A_379 = arith.index_cast %add3A_344 : i32 to index
        %get3A_380 = arith.constant 32 : index
        %get3A_381 = tpu.vector_load %arg12[%get3A_379, %get3A_380] {strides = array<i32>} : memref<200x64xf32, #tpu.memory_space<vmem>>, vector<1x16xf32>,
        %get3A_382 = vector.shape_cast %get3A_381 : vector<1x16xf32> to vector<16xf32>
        %mul3A_383 = arith.constant 8.000000e+00 : f32
        %mul3A_384 = vector.broadcast %mul3A_383 : f32 to vector<16xf32>
        %mul3A_385 = arith.mulf %get3A_382, %mul3A_384 : vector<16xf32>
        %get3A_386 = arith.index_cast %add3A_344 : i32 to index
        %get3A_387 = arith.constant 32 : index
        %get3A_388 = tpu.vector_load %arg6[%get3A_386, %get3A_387] {strides = array<i32>} : memref<200x64xf32, #tpu.memory_space<vmem>>, vector<1x16xf32>,
        %get3A_389 = vector.shape_cast %get3A_388 : vector<1x16xf32> to vector<16xf32>
        %add3A_390 = arith.addf %mul3A_385, %get3A_389 : vector<16xf32>
        %swap3A_391 = arith.index_cast %add3A_344 : i32 to index
        %swap3A_392 = arith.constant 32 : index
        %swap3A_393 = tpu.vector_load %arg14[%swap3A_391, %swap3A_392] {strides = array<i32>} : memref<200x64xf32, #tpu.memory_space<vmem>>, vector<1x16xf32>,
        %swap3A_394 = vector.shape_cast %swap3A_393 : vector<1x16xf32> to vector<16xf32>
        %swap3A_395 = vector.shape_cast %add3A_390 : vector<16xf32> to vector<1x16xf32>
        tpu.vector_store %arg14[%swap3A_391, %swap3A_392], %swap3A_395 {strides = array<i32>} : memref<200x64xf32, #tpu.memory_space<vmem>>, vector<1x16xf32>,
        %get3A_396 = arith.index_cast %add3A_344 : i32 to index
        %get3A_397 = arith.constant 48 : index
        %get3A_398 = tpu.vector_load %arg12[%get3A_396, %get3A_397] {strides = array<i32>} : memref<200x64xf32, #tpu.memory_space<vmem>>, vector<1x16xf32>,
        %get3A_399 = vector.shape_cast %get3A_398 : vector<1x16xf32> to vector<16xf32>
        %mul3A_400 = arith.constant 8.000000e+00 : f32
        %mul3A_401 = vector.broadcast %mul3A_400 : f32 to vector<16xf32>
        %mul3A_402 = arith.mulf %get3A_399, %mul3A_401 : vector<16xf32>
        %get3A_403 = arith.index_cast %add3A_344 : i32 to index
        %get3A_404 = arith.constant 48 : index
        %get3A_405 = tpu.vector_load %arg6[%get3A_403, %get3A_404] {strides = array<i32>} : memref<200x64xf32, #tpu.memory_space<vmem>>, vector<1x16xf32>,
        %get3A_406 = vector.shape_cast %get3A_405 : vector<1x16xf32> to vector<16xf32>
        %add3A_407 = arith.addf %mul3A_402, %get3A_406 : vector<16xf32>
        %swap3A_408 = arith.index_cast %add3A_344 : i32 to index
        %swap3A_409 = arith.constant 48 : index
        %swap3A_410 = tpu.vector_load %arg14[%swap3A_408, %swap3A_409] {strides = array<i32>} : memref<200x64xf32, #tpu.memory_space<vmem>>, vector<1x16xf32>,
        %swap3A_411 = vector.shape_cast %swap3A_410 : vector<1x16xf32> to vector<16xf32>
        %swap3A_412 = vector.shape_cast %add3A_407 : vector<16xf32> to vector<1x16xf32>
        tpu.vector_store %arg14[%swap3A_408, %swap3A_409], %swap3A_412 {strides = array<i32>} : memref<200x64xf32, #tpu.memory_space<vmem>>, vector<1x16xf32>,
      }
      %scan3A_253 = arith.constant 100 : i32
      %mul3A_254 = arith.constant 32 : i32
      %mul3A_255 = arith.muli %add3A, %mul3A_254 : i32
      %add3A_256 = arith.addi %mul3A_255, %add3A_222 : i32
      %dma_start3A_257 = arith.constant 0 : i32
      %dma_start3A_258 = arith.constant 0 : i32
      %dma_start3A_259 = tpu.memref_slice %arg5[%add3A_256, %dma_start3A_257, %dma_start3A_258] : memref<1024x200x64xf32, #tpu.memory_space<hbm>> -> memref<1x200x64xf32, #tpu.memory_space<hbm>>
      %dma_start3A_260 = tpu.memref_squeeze %dma_start3A_259 : memref<1x200x64xf32, #tpu.memory_space<hbm>> -> memref<200x64xf32, #tpu.memory_space<hbm>>
      %dma_start3A_261 = arith.constant 0 : i32
      %dma_start3A_262 = arith.constant 0 : i32
      %dma_start3A_263 = tpu.memref_slice %arg5[%add3A_256, %dma_start3A_261, %dma_start3A_262] : memref<1024x200x64xf32, #tpu.memory_space<hbm>> -> memref<1x200x64xf32, #tpu.memory_space<hbm>>
      %dma_start3A_264 = tpu.memref_squeeze %dma_start3A_263 : memref<1x200x64xf32, #tpu.memory_space<hbm>> -> memref<200x64xf32, #tpu.memory_space<hbm>>
      tpu.enqueue_dma source(%arg14 : memref<200x64xf32, #tpu.memory_space<vmem>>) target(%dma_start3A_264 : memref<200x64xf32, #tpu.memory_space<hbm>>) target_semaphore(%arg18 : memref<!tpu.dma_semaphore, #tpu.memory_space<semaphore_mem>>)
      %lt3A_265 = arith.constant 15 : i32
      %lt3A_266 = arith.cmpi slt, %scan3A_171, %lt3A_265 : i32
      %convert_element_type3A_267 = arith.extui %lt3A_266 : i1 to i32
      %cond3A_268 = arith.constant 0 : i32
      %cond3A_269 = arith.cmpi ne, %convert_element_type3A_267, %cond3A_268 : i32
      scf.if %cond3A_269 {
        %add3A_270 = arith.constant 2 : i32
        %add3A_271 = arith.addi %add3A_222, %add3A_270 : i32
        %mul3A_272 = arith.constant 32 : i32
        %mul3A_273 = arith.muli %add3A, %mul3A_272 : i32
        %add3A_274 = arith.addi %mul3A_273, %add3A_271 : i32
        %mul3A_275 = arith.constant 200 : i32
        %mul3A_276 = arith.muli %add3A_274, %mul3A_275 : i32
        %multiple_of3A_277 = tpu.assume_multiple %mul3A_276, 8 : i32
        "tpu.region"() ({
          %run_scoped3A = tpu.sem_alloc : memref<!tpu.dma_semaphore, #tpu.memory_space<semaphore_mem>>
          %dma_start3A_292 = tpu.memref_slice %arg2[%multiple_of3A_277] : memref<204800xi32, #tpu.memory_space<hbm>> -> memref<104xi32, #tpu.memory_space<hbm>>
          %dma_start3A_293 = tpu.memref_slice %arg2[%multiple_of3A_277] : memref<204800xi32, #tpu.memory_space<hbm>> -> memref<104xi32, #tpu.memory_space<hbm>>
          tpu.enqueue_dma source(%dma_start3A_293 : memref<104xi32, #tpu.memory_space<hbm>>) target(%arg8 : memref<104xi32, #tpu.memory_space<vmem>>) target_semaphore(%run_scoped3A : memref<!tpu.dma_semaphore, #tpu.memory_space<semaphore_mem>>)
          %dma_wait3A_294 = tpu.memref_slice %arg2[%multiple_of3A_277] : memref<204800xi32, #tpu.memory_space<hbm>> -> memref<104xi32, #tpu.memory_space<hbm>>
          %dma_wait3A_295 = tpu.memref_slice %arg2[%multiple_of3A_277] : memref<204800xi32, #tpu.memory_space<hbm>> -> memref<104xi32, #tpu.memory_space<hbm>>
          tpu.wait_dma2 semaphore(%run_scoped3A : memref<!tpu.dma_semaphore, #tpu.memory_space<semaphore_mem>>) src(%dma_wait3A_295 : memref<104xi32, #tpu.memory_space<hbm>>) dst(%arg8 : memref<104xi32, #tpu.memory_space<vmem>>)
          tpu.yield
        }) : () -> ()
        %add3A_278 = arith.constant 104 : i32
        %add3A_279 = arith.addi %multiple_of3A_277, %add3A_278 : i32
        "tpu.region"() ({
          %run_scoped3A = tpu.sem_alloc : memref<!tpu.dma_semaphore, #tpu.memory_space<semaphore_mem>>
          %dma_start3A_292 = tpu.memref_slice %arg2[%add3A_279] : memref<204800xi32, #tpu.memory_space<hbm>> -> memref<96xi32, #tpu.memory_space<hbm>>
          %dma_start3A_293 = tpu.memref_slice %arg2[%add3A_279] : memref<204800xi32, #tpu.memory_space<hbm>> -> memref<96xi32, #tpu.memory_space<hbm>>
          tpu.enqueue_dma source(%dma_start3A_293 : memref<96xi32, #tpu.memory_space<hbm>>) target(%arg10 : memref<96xi32, #tpu.memory_space<vmem>>) target_semaphore(%run_scoped3A : memref<!tpu.dma_semaphore, #tpu.memory_space<semaphore_mem>>)
          %dma_wait3A_294 = tpu.memref_slice %arg2[%add3A_279] : memref<204800xi32, #tpu.memory_space<hbm>> -> memref<96xi32, #tpu.memory_space<hbm>>
          %dma_wait3A_295 = tpu.memref_slice %arg2[%add3A_279] : memref<204800xi32, #tpu.memory_space<hbm>> -> memref<96xi32, #tpu.memory_space<hbm>>
          tpu.wait_dma2 semaphore(%run_scoped3A : memref<!tpu.dma_semaphore, #tpu.memory_space<semaphore_mem>>) src(%dma_wait3A_295 : memref<96xi32, #tpu.memory_space<hbm>>) dst(%arg10 : memref<96xi32, #tpu.memory_space<vmem>>)
          tpu.yield
        }) : () -> ()
        %dma_start3A_280 = arith.constant 0 : i32
        %dma_start3A_281 = arith.constant 0 : i32
        %dma_start3A_282 = tpu.memref_slice %arg12[%dma_start3A_280, %dma_start3A_281] : memref<200x64xf32, #tpu.memory_space<vmem>> -> memref<104x64xf32, #tpu.memory_space<vmem>>
        %dma_start3A_283 = arith.constant 0 : i32
        %dma_start3A_284 = arith.constant 0 : i32
        %dma_start3A_285 = tpu.memref_slice %arg3[%dma_start3A_283, %dma_start3A_284] : memref<1000000x64xf32, #tpu.memory_space<hbm>> -> memref<1000000x64xf32, #tpu.memory_space<hbm>>
        tpu.enqueue_indirect_dma source(%dma_start3A_285 : memref<1000000x64xf32, #tpu.memory_space<hbm>>) target(%dma_start3A_282 : memref<104x64xf32, #tpu.memory_space<vmem>>) offsets(%arg8 : memref<104xi32, #tpu.memory_space<vmem>>) semaphore(%arg16 : memref<!tpu.dma_semaphore, #tpu.memory_space<semaphore_mem>>)
        %dma_start3A_286 = arith.constant 104 : i32
        %dma_start3A_287 = arith.constant 0 : i32
        %dma_start3A_288 = tpu.memref_slice %arg12[%dma_start3A_286, %dma_start3A_287] : memref<200x64xf32, #tpu.memory_space<vmem>> -> memref<96x64xf32, #tpu.memory_space<vmem>>
        %dma_start3A_289 = arith.constant 0 : i32
        %dma_start3A_290 = arith.constant 0 : i32
        %dma_start3A_291 = tpu.memref_slice %arg3[%dma_start3A_289, %dma_start3A_290] : memref<1000000x64xf32, #tpu.memory_space<hbm>> -> memref<1000000x64xf32, #tpu.memory_space<hbm>>
        tpu.enqueue_indirect_dma source(%dma_start3A_291 : memref<1000000x64xf32, #tpu.memory_space<hbm>>) target(%dma_start3A_288 : memref<96x64xf32, #tpu.memory_space<vmem>>) offsets(%arg10 : memref<96xi32, #tpu.memory_space<vmem>>) semaphore(%arg16 : memref<!tpu.dma_semaphore, #tpu.memory_space<semaphore_mem>>)
      } else {
      }
    }
    %scan3A_146 = arith.constant 15 : i32
    %mul3A_147 = arith.constant 32 : i32
    %mul3A_148 = arith.muli %add3A, %mul3A_147 : i32
    %add3A_149 = arith.constant 30 : i32
    %add3A_150 = arith.addi %mul3A_148, %add3A_149 : i32
    %dma_wait3A_151 = arith.constant 0 : i32
    %dma_wait3A_152 = arith.constant 0 : i32
    %dma_wait3A_153 = tpu.memref_slice %arg5[%add3A_150, %dma_wait3A_151, %dma_wait3A_152] : memref<1024x200x64xf32, #tpu.memory_space<hbm>> -> memref<1x200x64xf32, #tpu.memory_space<hbm>>
    %dma_wait3A_154 = tpu.memref_squeeze %dma_wait3A_153 : memref<1x200x64xf32, #tpu.memory_space<hbm>> -> memref<200x64xf32, #tpu.memory_space<hbm>>
    %dma_wait3A_155 = arith.constant 0 : i32
    %dma_wait3A_156 = arith.constant 0 : i32
    %dma_wait3A_157 = tpu.memref_slice %arg5[%add3A_150, %dma_wait3A_155, %dma_wait3A_156] : memref<1024x200x64xf32, #tpu.memory_space<hbm>> -> memref<1x200x64xf32, #tpu.memory_space<hbm>>
    %dma_wait3A_158 = tpu.memref_squeeze %dma_wait3A_157 : memref<1x200x64xf32, #tpu.memory_space<hbm>> -> memref<200x64xf32, #tpu.memory_space<hbm>>
    tpu.wait_dma2 semaphore(%arg17 : memref<!tpu.dma_semaphore, #tpu.memory_space<semaphore_mem>>) src(%arg13 : memref<200x64xf32, #tpu.memory_space<vmem>>) dst(%dma_wait3A_158 : memref<200x64xf32, #tpu.memory_space<hbm>>)
    %mul3A_159 = arith.constant 32 : i32
    %mul3A_160 = arith.muli %add3A, %mul3A_159 : i32
    %add3A_161 = arith.constant 31 : i32
    %add3A_162 = arith.addi %mul3A_160, %add3A_161 : i32
    %dma_wait3A_163 = arith.constant 0 : i32
    %dma_wait3A_164 = arith.constant 0 : i32
    %dma_wait3A_165 = tpu.memref_slice %arg5[%add3A_162, %dma_wait3A_163, %dma_wait3A_164] : memref<1024x200x64xf32, #tpu.memory_space<hbm>> -> memref<1x200x64xf32, #tpu.memory_space<hbm>>
    %dma_wait3A_166 = tpu.memref_squeeze %dma_wait3A_165 : memref<1x200x64xf32, #tpu.memory_space<hbm>> -> memref<200x64xf32, #tpu.memory_space<hbm>>
    %dma_wait3A_167 = arith.constant 0 : i32
    %dma_wait3A_168 = arith.constant 0 : i32
    %dma_wait3A_169 = tpu.memref_slice %arg5[%add3A_162, %dma_wait3A_167, %dma_wait3A_168] : memref<1024x200x64xf32, #tpu.memory_space<hbm>> -> memref<1x200x64xf32, #tpu.memory_space<hbm>>
    %dma_wait3A_170 = tpu.memref_squeeze %dma_wait3A_169 : memref<1x200x64xf32, #tpu.memory_space<hbm>> -> memref<200x64xf32, #tpu.memory_space<hbm>>
    tpu.wait_dma2 semaphore(%arg18 : memref<!tpu.dma_semaphore, #tpu.memory_space<semaphore_mem>>) src(%arg14 : memref<200x64xf32, #tpu.memory_space<vmem>>) dst(%dma_wait3A_170 : memref<200x64xf32, #tpu.memory_space<hbm>>)
    return
  }
}

</mosaic_0001>

<sc_bundles>
// kernel: kernel.3.cloned.1.call-start
scs
__scs_entry_jumppad:
0x0: {  	(pc) =	sbr.rel $0x88, $3  }
0x1: {  	(tag) =	ssettag $0x0;
	lr =	simm.s32 $0x1  }
0x2: {  	[smem:$0x3F9E] =	sst lr;
	_ =	strace $0xD0000000  }
0x3: {  	_ = 	snop  }
0x4: {  	_ = 	snop  }
0x5: {  	_ = 	snop  }
0x6: {  	_ = 	snop  }
0x7: {  	_ = 	snop  }
__scs_overlays_trampoline_lowered:
0x8: {  	[smem:$0x3FAD] =	sst s0  }
0x9: {  	[smem:$0x3FAE] =	sst s1  }
0xa: {  	[smem:$0x3FAF] =	sst s2  }
0xb: {  	[smem:$0x3FB0] =	sst s3  }
0xc: {  	[smem:$0x3FB1] =	sst s4  }
0xd: {  	[smem:$0x3FB2] =	sst s5  }
0xe: {  	[smem:$0x3FB3] =	sst s6  }
0xf: {  	[smem:$0x3FB4] =	sst s7  }
0x10: {  	[smem:$0x3FB5] =	sst s8  }
0x11: {  	[smem:$0x3FB6] =	sst s9;
	s0 =	simm.s32 @!p0 $0x0  }
0x12: {  	s1 =	sld [smem:$0x3F9C];
	s0 =	simm.s32 @p0 $0x1  }
0x13: {  	[smem:$0x3FB7] =	sst s0;
	s0 =	simm.s32 @!p1 $0x0  }
0x14: {  	s2 =	sld [smem:$0x3F9B];
	s0 =	simm.s32 @p1 $0x1  }
0x15: {  	[smem:$0x3FB8] =	sst s0;
	s0 =	simm.s32 @!p2 $0x0  }
0x16: {  	s3 =	sld [smem:$0x3FDB];
	s0 =	simm.s32 @p2 $0x1  }
0x17: {  	s4 =	simm.s32 $0x1BF5;
	[smem:$0x3FBA] =	sst s0  }
0x18: {  	s0 =	sld [smem:$0x3F9D];
	_ =	swait.ge [sflag:s4], $0x0  }
0x19: {  	s7 =	sld [smem:$0x3F9E]  }
0x1a: {  	s8 =	sadd.s32 $0xFFFFE003, lr  }
0x1b: {  	s9 =	sadd.s32 $0xFFFFFEF7, lr;
	s5 =	simm.s32 $0xFFFFFFFF;
	p2 =	slt.u32 s8, $0xFFFFF086  }
0x1c: {  	p1 =	slt.u32 s9, $0xF7A;
	s5 =	simm.s32 @!p2 $0x0  }
0x1d: {  	s5 =	simm.s32 @p1 $0x1;
	p0 =	seq.s32 s7, s2  }
0x1e: {  	s7 =	smul.u32 @!p0 $0xF7A, s2;
	p2 =	seq.s32 @!p0 s5, $0x0  }
0x1f: {  	s9 =	smul.u32 $0xF7A, s1;
	s8 =	simm.s32 @!p0 $0x1BF5;
	p2 =	por !p2, p0  }
0x20: {  	[sflag:s8] =	ssyncset.s32 @!p0 $0xFFFFF086;
	s6 =	sadd.s32 @!p0 s3, s7;
	s7 =	simm.s32 @!p0 $0x108  }
0x21: {  	s3 =	sadd.s32 s3, s9;
	s6 =	sadd.s32 @!p0 $0x88, s6;
	s7 =	simm.s32 @p2 $0x1082  }
0x22: {  	[simem:s7], [sflag:s8] =	dma.local @!p0 [hbm:s6], $0xF7A  }
0x23: {  	s9 =	sor.u32 $0xD0000000, s2;
	s6 =	simm.s32 $0x108;
	_ =	swait.ge @!p0 [sflag:s8], $0x0  }
0x24: {  	s3 =	sadd.s32 $0x88, s3;
	s6 =	simm.s32 @!p1 $0x1082;
	[sflag:s4] =	ssyncset.s32 $0xFFFFF086  }
0x25: {  	[simem:s6], [sflag:s4] =	dma.local [hbm:s3], $0xF7A  }
0x26: {  	[smem:$0x3F9E] =	sst s1;
	(tag) =	ssettag s2;
	_ =	strace s9  }
0x27: {  	s1 =	sld [smem:$0x3FAE]  }
0x28: {  	s2 =	sld [smem:$0x3FAF]  }
0x29: {  	s4 =	sld [smem:$0x3FB1]  }
0x2a: {  	p0 =	seq.s32 s5, $0x0;
	s5 =	sld [smem:$0x3FB2]  }
0x2b: {  	s6 =	sld [smem:$0x3FB3]  }
0x2c: {  	s7 =	sld [smem:$0x3FB4]  }
0x2d: {  	s3 =	simm.s32 $0x108;
	s8 =	sld [smem:$0x3FB5]  }
0x2e: {  	s3 =	simm.s32 @!p0 $0x1082;
	s9 =	sld [smem:$0x3FB6]  }
0x2f: {  	lr =	sadd.s32 s0, s3;
	s0 =	sld [smem:$0x3FAD]  }
0x30: {  	s3 =	sld [smem:$0x3FB0]  }
0x31: {  	[smem:$0x3FB9] =	sst s10  }
0x32: {  	s10 =	sld [smem:$0x3FB7];
	_ =	sdelay $0x3  }
0x33: {  	p0 =	seq.s32 s10, $0x1;
	s10 =	sld [smem:$0x3FB9];
	_ =	sdelay $0x3  }
0x34: {  	[smem:$0x3FB9] =	sst s10  }
0x35: {  	s10 =	sld [smem:$0x3FB8];
	_ =	sdelay $0x3  }
0x36: {  	p1 =	seq.s32 s10, $0x1;
	s10 =	sld [smem:$0x3FB9];
	_ =	sdelay $0x3  }
0x37: {  	[smem:$0x3FB9] =	sst s10  }
0x38: {  	s10 =	sld [smem:$0x3FBA]  }
0x39: {  	_ = 	snop;
	(pc) =	sbr.ind lr, $3  }
0x3a: {  	_ = 	snop  }
0x3b: {  	_ = 	snop  }
0x3c: {  	p2 =	seq.s32 s10, $0x1;
	s10 =	sld [smem:$0x3FB9]  }
0x3d: {  	_ =	shalt  }
0x3e: {  	_ =	shalt  }
0x3f: {  	_ =	shalt  }
0x40: {  	_ =	shalt  }
0x41: {  	_ =	shalt  }
0x42: {  	_ =	shalt  }
0x43: {  	_ =	shalt  }
0x44: {  	_ =	shalt  }
0x45: {  	_ =	shalt  }
0x46: {  	_ =	shalt  }
0x47: {  	_ =	shalt  }
0x48: {  	_ =	shalt  }
0x49: {  	_ =	shalt  }
0x4a: {  	_ =	shalt  }
0x4b: {  	_ =	shalt  }
0x4c: {  	_ =	shalt  }
0x4d: {  	_ =	shalt  }
0x4e: {  	_ =	shalt  }
0x4f: {  	_ =	shalt  }
0x50: {  	_ =	shalt  }
0x51: {  	_ =	shalt  }
0x52: {  	_ =	shalt  }
0x53: {  	_ =	shalt  }
0x54: {  	_ =	shalt  }
0x55: {  	_ =	shalt  }
0x56: {  	_ =	shalt  }
0x57: {  	_ =	shalt  }
0x58: {  	_ =	shalt  }
0x59: {  	_ =	shalt  }
0x5a: {  	_ =	shalt  }
0x5b: {  	_ =	shalt  }
0x5c: {  	_ =	shalt  }
0x5d: {  	_ =	shalt  }
0x5e: {  	_ =	shalt  }
0x5f: {  	_ =	shalt  }
0x60: {  	_ =	shalt  }
0x61: {  	_ =	shalt  }
0x62: {  	_ =	shalt  }
0x63: {  	_ =	shalt  }
0x64: {  	_ =	shalt  }
0x65: {  	_ =	shalt  }
0x66: {  	_ =	shalt  }
0x67: {  	_ =	shalt  }
0x68: {  	_ =	shalt  }
0x69: {  	_ =	shalt  }
0x6a: {  	_ =	shalt  }
0x6b: {  	_ =	shalt  }
0x6c: {  	_ =	shalt  }
0x6d: {  	_ =	shalt  }
0x6e: {  	_ =	shalt  }
0x6f: {  	_ =	shalt  }
0x70: {  	_ =	shalt  }
0x71: {  	_ =	shalt  }
0x72: {  	_ =	shalt  }
0x73: {  	_ =	shalt  }
0x74: {  	_ =	shalt  }
0x75: {  	_ =	shalt  }
0x76: {  	_ =	shalt  }
0x77: {  	_ =	shalt  }
0x78: {  	_ =	shalt  }
0x79: {  	_ =	shalt  }
0x7a: {  	_ =	shalt  }
0x7b: {  	_ =	shalt  }
0x7c: {  	_ =	shalt  }
0x7d: {  	_ =	shalt  }
0x7e: {  	_ =	shalt  }
0x7f: {  	_ =	shalt  }
0x80: {  	_ =	shalt  }
0x81: {  	_ =	shalt  }
0x82: {  	_ =	shalt  }
0x83: {  	_ =	shalt  }
0x84: {  	_ =	shalt  }
0x85: {  	_ =	shalt  }
0x86: {  	_ =	shalt  }
0x87: {  	_ =	shalt  }
.Lfunc_end0:
.L_simem_size_0:
called_computation.1_lowered:
.L_overlay_start_0:
0x88: {  	s2 =	sld [smem:$0x3FD9]  }
0x89: {  	s3 =	sld [smem:$0x3FFE];
	_ =	sdelay $0x1  }
0x8a: {  	s1 =	srdreg.scid  }
0x8b: {  	s0 =	sand.u32 $0x1, s1  }
0x8c: {  	s17 =	sshll.u32 s0, $0xA;
	s2 =	sadd.s32 s3, s2  }
0x8d: {  	s2 =	sadd.s32 s2, s17  }
0x8e: {  	[smem:$0x3FC5] =	sst s2  }
0x8f: {  	_ = 	snop  }
0x90: {  	s2 =	sld [smem:$0x3FD0];
	(tm) =	ssettm $0x1  }
0x91: {  	s18 =	sld [smem:$0x3FFB];
	_ =	sdelay $0x3  }
0x92: {  	_ =	strace s18  }
0x93: {  	s3 =	sld [smem:$0x3FFC];
	_ =	sdelay $0x3  }
0x94: {  	_ =	strace s3  }
0x95: {  	s3 =	sld [smem:$0x3FFD];
	_ =	sdelay $0x3  }
0x96: {  	_ =	strace s3  }
0x97: {  	_ =	strace $0x8FFFFFFF  }
0x98: {  	s19 =	sld [smem:$0x3FDB];
	_ =	sdelay $0x1  }
0x99: {  	s4 =	simm.s32 $_scs_section_size  }
0x9a: {  	s5 =	simm.s32 $_size__tile_overlayer_lowered;
	s6 =	simm.s32 $_tile_overlayer_lowered  }
0x9b: {  	s22 =	simm.s32 $0x1BFF;
	s21 =	sshll.u32 s6, $0x1;
	s3 =	sadd.s32 s4, s19  }
0x9c: {  	s7 =	simm.s32 $0x0;
	s20 =	sshll.u32 s5, $0x1;
	s5 =	sadd.s32 s21, s3  }
0x9d: {  	[timem:s7], [sflag:s22] =	dma.local [hbm:s5], s20  }
0x9e: {  	_ =	swait.ge [sflag:s22], s20  }
0x9f: {  	s4 =	ssub.s32 $0x0, s20;
	[sflag:s22] =	ssyncset.done $0x0  }
0xa0: {  	[sflag:s22] =	ssyncadd.s32 s4;
	_ =	sdelay $0x1  }
0xa1: {  	s23 =	simm.s32 $0x1B8B  }
0xa2: {  	_ =	swait.ge [sflag:s23], $0x1  }
0xa3: {  	[sflag:s23] =	ssyncset.done $0x0  }
0xa4: {  	s25 =	simm.s32 $0x1B8E;
	s24 =	sld [smem:$0x3FFE];
	[sflag:s23] =	ssyncadd.s32 $0xFFFFFFFF  }
0xa5: {  	s26 =	simm.s32 $execute0_lowered;
	[smem:$0x3FD2] =	sst s25  }
0xa6: {  	s5 =	sshll.u32 s26, $0x1;
	_ =	strace $0x80000046;
	[dreg:$0x1] =	wrdreg $0xFFFFFFFF  }
0xa7: {  	s28 =	simm.s32 $_size_execute0_lowered;
	s3 =	sadd.s32 s3, s5;
	[dreg:$0x0] =	wrdreg $0x0  }
0xa8: {  	s5 =	sshll.u32 s28, $0x1;
	[dreg:$0x2] =	wrdreg s3  }
0xa9: {  	[dreg:$0x3] =	wrdreg s5  }
0xaa: {  	[dreg:$0x4] =	wrdreg $0xC0  }
0xab: {  	_ =	task [dreg:s7], $0x5FFFF  }
0xac: {  	[dreg:$0x1] =	wrdreg $0xFFFFFFFF  }
0xad: {  	[dreg:$0x0] =	wrdreg $0x60  }
0xae: {  	[dreg:$0x2] =	wrdreg s24  }
0xaf: {  	[dreg:$0x3] =	wrdreg s2  }
0xb0: {  	[dreg:$0x4] =	wrdreg $0x9  }
0xb1: {  	_ =	task.clear_ibuf [dreg:s7], $0x5FFFF;
	_ =	strace $0x90000046  }
0xb2: {  	s29 =	simm.s32 $0x9;
	_ =	strace $0x80000048  }
0xb3: {  	_ =	swait.ge [sflag:s29], $0x1  }
0xb4: {  	[sflag:s29] =	ssyncadd.s32 $0xFFFFFFFF  }
0xb5: {  	_ =	strace $0x90000048  }
0xb6: {  	_ =	sfence  }
0xb7: {  	s30 =	sld [smem:$0x0];
	_ =	sdelay $0x2  }
0xb8: {  	s31 =	sshll.u32 s1, $0xD;
	s1 =	sshrl.u32 s1, $0x2  }
0xb9: {  	s3 =	sand.u32 $0x4000, s31;
	s1 =	sadd.s32 s1, s30  }
0xba: {  	s0 =	sor.u32 s3, s0;
	s1 =	sshll.u32 s1, $0x11  }
0xbb: {  	s0 =	sor.u32 s1, s0  }
0xbc: {  	s0 =	sadd.s32 $0x8F2B, s0  }
0xbd: {  	[sflag:s0] =	ssyncadd.remote.s32 $0x1  }
0xbe: {  	_ =	sfence.sel $0xFFFF  }
0xbf: {  	[dreg:$0x0] =	wrdreg $0xFFFFFFFF;
	(pc) =	sbr.abs _section_cstart, $3  }
0xc0: {  	[dreg:$0x1] =	wrdreg $0xFFFFFFFF  }
0xc1: {  	_ =	task.clear_ibuf [dreg:s7], $0x2FFFF;
	_ =	strace $0x9FFFFFFF  }
0xc2: {  	(tm) =	ssettm $0x7FFFFFFF  }
0xc3: {  	_ =	shalt  }
tec
execute0_lowered:
.L_overlay_start_1:
0x0: {  	(tag) =	ssettag $0x1  }
0x1: {  	s0 =	rddreg [dreg:$0x0]  }
0x2: {  	s2 =	rddreg [dreg:$0x1];
	s3 =	simm.s32 $0x0;
	s1 =	srdreg.scid  }
0x3: {  	s4 =	stileid.u32;
	s16 =	simm.s32 $0x3390;
	s29 =	simm.s32 $0x3268  }
0x4: {  	s30 =	simm.s32 $0x3330;
	s31 =	simm.s32 $0x6590;
	s13 =	simm.s32 $0x0  }
0x5: {  	[smem:$0x7FF] =	sst s3;
	s1 =	sand.u32 $0x1, s1;
	s4 =	sshll.u32 s4, $0x1  }
0x6: {  	s6 =	sadd.s32 $0xF43000, s0;
	_ =	strace $0x80000047;
	s7 =	sor.u32 s1, s4  }
0x7: {  	s4 =	sadd.s32 $0xC00, s0;
	s1 =	ssub.s32 $0x2, s1;
	s0 =	sadd.s32 $0x7000, s0  }
0x8: {  	s9 =	smul.u32 $0x1900, s7;
	s5 =	sshll.u32 s7, $0x5;
	s8 =	sshrl.u32 s1, $0x1  }
0x9: {  	[dreg:$0x3] =	wrdreg s0;
	s7 =	smul.u32 $0xC800, s7;
	s10 =	sor.u32 $0x1, s5  }
0xa: {  	s17 =	ssub.s32 s1, s8;
	s11 =	sshrl.u32 s9, $0x3;
	s12 =	smul.u32 $0xC8, s10  }
0xb: {  	s22 =	sadd.s32 s2, s7;
	s23 =	sadd.s32 $0x1F8, s9;
	s24 =	smul.u32 $0x640, s10  }
0xc: {  	s9 =	sadd.s32 $0x258, s9;
	s0 =	smax.u32 s17, $0x1;
	s17 =	simm.s32 $0x4D90  }
0xd: {  	s10 =	simm.s32 $0xC990;
	s8 =	sadd.s32 s4, s11;
	[dreg:$0x7] =	wrdreg s22  }
0xe: {  	s26 =	sshrl.u32 s9, $0x3;
	[dreg:$0xd] =	wrdreg s0;
	s22 =	simm.s32 $0x3200  }
0xf: {  	s0 =	simm.s32 $0x7F90;
	s9 =	simm.s32 $0x2;
	s11 =	simm.s32 $0x3  }
0x10: {  	s18 =	sshrl.u32 s12, $0x3;
	s19 =	sadd.s32 $0x68, s12;
	s20 =	sadd.s32 $0xD, s8  }
0x11: {  	s25 =	sadd.s32 $0x32, s8;
	s7 =	sadd.s32 s2, s24;
	[dreg:$0x4] =	wrdreg s20  }
0x12: {  	s28 =	sadd.s32 $0x58, s8;
	s24 =	simm.s32 $0x68;
	[dreg:$0x8] =	wrdreg s25  }
0x13: {  	s12 =	simm.s32 $0x4;
	s1 =	sadd.s32 s4, s18;
	[dreg:$0xa] =	wrdreg s7  }
0x14: {  	s21 =	sshrl.u32 s19, $0x3;
	[dreg:$0xc] =	wrdreg s28;
	s18 =	sor.u32 $0x2, s5  }
.Ltmp0:
0x15: {  	[dreg:$0x5] =	wrdreg s1;
	s1 =	sadd.s32 s4, s21;
	(pc) =	sbr.rel .LBB2_1-.Ltmp0, $4  }
0x16: {  	s19 =	sor.u32 $0x3, s5;
	[dreg:$0x6] =	wrdreg s1;
	s1 =	sshrl.u32 s23, $0x3  }
0x17: {  	s7 =	simm.s32 $0x9790;
	s21 =	simm.s32 $0x5;
	s1 =	sadd.s32 s4, s1  }
0x18: {  	s23 =	simm.s32 $0x32D0;
	[dreg:$0x9] =	wrdreg s1;
	s1 =	sadd.s32 s4, s26  }
0x19: {  	s26 =	simm.s32 $0x60;
	[dreg:$0xb] =	wrdreg s1;
	s1 =	simm.s32 $0x1  }
.LBB2_12:
0x1a: {  	_ =	swait.ge [sflag:s11], $0x3200  }
0x1b: {  	[sflag:s11] =	ssyncset.done $0x0  }
0x1c: {  	[sflag:s11] =	ssyncadd.s32 $0xFFFFCE00  }
0x1d: {  	_ =	swait.ge [sflag:s12], $0x3200  }
0x1e: {  	s13 =	sadd.s32 $0x1, s13;
	s14 =	rddreg [dreg:$0xd]  }
0x1f: {  	p0 =	sne.s32 s13, s14  }
.Ltmp1:
0x20: {  	_ = 	snop;
	(pc) =	sbr.rel @!p0 .LBB2_13-.Ltmp1, $3  }
0x21: {  	_ =	sdelay $0x1  }
0x22: {  	[sflag:s12] =	ssyncset.done $0x0  }
0x23: {  	s16 =	simm.s32 $0x3390;
	s17 =	simm.s32 $0x4D90;
	[sflag:s12] =	ssyncadd.s32 $0xFFFFCE00  }
.LBB2_1:
0x24: {  	s14 =	rddreg [dreg:$0x3]  }
0x25: {  	[tilespmem:s3], [sflag:$0x5] =	stream.linear.gather [hbm4b:s14+s3], $0x3200, $0x38;
	[tilespmem:$0xFB90] =	vst v63  }
0x26: {  	_ =	swait.ge [sflag:s21], $0x3200  }
0x27: {  	[sflag:s21] =	ssyncset.done $0x0  }
0x28: {  	[sflag:s21] =	ssyncadd.s32 $0xFFFFCE00  }
0x29: {  	[tilespmem:s22], [sflag:$0x5] =	stream.linear.gather [hbm4b:s8+s3], $0x68, $0x38;
	[tilespmem:$0xFB90] =	vst v63  }
0x2a: {  	_ =	swait.ge [sflag:s21], $0x68  }
0x2b: {  	[sflag:s21] =	ssyncset.done $0x0  }
0x2c: {  	s20 =	rddreg [dreg:$0x4];
	[sflag:s21] =	ssyncadd.s32 $0xFFFFFF98  }
0x2d: {  	[tilespmem:s23], [sflag:$0x5] =	stream.linear.gather [hbm4b:s20+s3], $0x60, $0x38;
	[tilespmem:$0xFB90] =	vst v63  }
0x2e: {  	_ =	swait.ge [sflag:s21], $0x60  }
0x2f: {  	[sflag:s21] =	ssyncset.done $0x0  }
0x30: {  	[sflag:s21] =	ssyncadd.s32 $0xFFFFFFA0  }
0x31: {  	[tilespmem:s16], [sflag:$0x1] =	stream.indirect.gather [hbm4b:s6+s24], $0x40, s22, s24, $0xb8;
	[tilespmem:$0xFB90] =	vst v63  }
0x32: {  	_ = 	snop  }
0x33: {  	[tilespmem:s17], [sflag:$0x1] =	stream.indirect.gather [hbm4b:s6+s26], $0x40, s23, s26, $0xb8;
	[tilespmem:$0xFB90] =	vst v63  }
0x34: {  	s25 =	rddreg [dreg:$0x5]  }
0x35: {  	[tilespmem:s29], [sflag:$0x5] =	stream.linear.gather [hbm4b:s25+s3], $0x68, $0x38;
	[tilespmem:$0xFB90] =	vst v63  }
0x36: {  	_ =	swait.ge [sflag:s21], $0x68  }
0x37: {  	[sflag:s21] =	ssyncset.done $0x0  }
0x38: {  	s28 =	rddreg [dreg:$0x6];
	[sflag:s21] =	ssyncadd.s32 $0xFFFFFF98  }
0x39: {  	[tilespmem:s30], [sflag:$0x5] =	stream.linear.gather [hbm4b:s28+s3], $0x60, $0x38;
	[tilespmem:$0xFB90] =	vst v63  }
0x3a: {  	_ =	swait.ge [sflag:s21], $0x60  }
0x3b: {  	[sflag:s21] =	ssyncset.done $0x0  }
0x3c: {  	[sflag:s21] =	ssyncadd.s32 $0xFFFFFFA0  }
0x3d: {  	[tilespmem:s31], [sflag:$0x2] =	stream.indirect.gather [hbm4b:s6+s24], $0x40, s29, s24, $0xb8;
	[tilespmem:$0xFB90] =	vst v63  }
0x3e: {  	_ = 	snop  }
0x3f: {  	[tilespmem:s0], [sflag:$0x2] =	stream.indirect.gather [hbm4b:s6+s26], $0x40, s30, s26, $0xb8;
	[tilespmem:$0xFB90] =	vst v63  }
0x40: {  	_ =	swait.ge [sflag:s1], $0x1A00  }
0x41: {  	[sflag:s1] =	ssyncset.done $0x0  }
0x42: {  	[sflag:s1] =	ssyncadd.s32 $0xFFFFE600  }
0x43: {  	_ =	swait.ge [sflag:s1], $0x1800  }
0x44: {  	[sflag:s1] =	ssyncset.done $0x0  }
0x45: {  	s14 =	simm.s32 $0x70;
	[sflag:s1] =	ssyncadd.s32 $0xFFFFE800  }
0x46: {  	v0 =	vld [tilespmem:s14+$0x3390]  }
0x47: {  	v1 =	vld [tilespmem:s14+$0x3320]  }
0x48: {  	v2 =	vld [tilespmem:s14+$0x0]  }
0x49: {  	v3 =	vld [tilespmem:s14+$0x3330]  }
0x4a: {  	v4 =	vld [tilespmem:s14+$0x3340]  }
0x4b: {  	v7 =	vld [tilespmem:s14+$0x3350]  }
0x4c: {  	v9 =	vld [tilespmem:s14+$0x3360]  }
0x4d: {  	v11 =	vld [tilespmem:s14+$0x3370]  }
0x4e: {  	v12 =	vld [tilespmem:s14+$0x3380];
	v0 =	vmul.f32 $8.000000000e+00, v0  }
0x4f: {  	v10 =	vld [tilespmem:s14+$0xFFFFFF90]  }
0x50: {  	v13 =	vld [tilespmem:s14+$0xFFFFFFA0];
	v0 =	vadd.f32 v2, v0  }
0x51: {  	v8 =	vld [tilespmem:s14+$0xFFFFFFB0]  }
0x52: {  	v6 =	vld [tilespmem:s14+$0xFFFFFFC0];
	[tilespmem:s14+$0x9790] =	vst v0;
	v0 =	vmul.f32 $8.000000000e+00, v1  }
0x53: {  	v14 =	vmul.f32 $8.000000000e+00, v3;
	v5 =	vmul.f32 $8.000000000e+00, v4;
	v4 =	vld [tilespmem:s14+$0xFFFFFFD0]  }
0x54: {  	v3 =	vmul.f32 $8.000000000e+00, v7;
	v7 =	vld [tilespmem:s14+$0xFFFFFFE0];
	v2 =	vmul.f32 $8.000000000e+00, v9;
	v10 =	vadd.f32 v10, v0  }
0x55: {  	s15 =	simm.s32 $0xF0;
	s25 =	simm.s32 $0x5C0;
	v9 =	vld [tilespmem:s14+$0xFFFFFFF0];
	v1 =	vmul.f32 $8.000000000e+00, v11;
	v11 =	vadd.f32 v13, v14;
	v0 =	vmul.f32 $8.000000000e+00, v12  }
.LBB2_2:
0x56: {  	p0 =	sne.s32 s25, $0xC7C0;
	v12 =	vld [tilespmem:s15+$0x3390];
	[tilespmem:s14+$0x9720] =	vst v10;
	v5 =	vadd.f32 v8, v5  }
0x57: {  	v8 =	vld [tilespmem:s15+$0x3320];
	[tilespmem:s14+$0x9730] =	vst v11;
	v3 =	vadd.f32 v6, v3  }
0x58: {  	v6 =	vld [tilespmem:s15+$0x0];
	[tilespmem:s14+$0x9740] =	vst v5;
	v2 =	vadd.f32 v4, v2  }
0x59: {  	v4 =	vld [tilespmem:s15+$0x3330];
	[tilespmem:s14+$0x9750] =	vst v3;
	v1 =	vadd.f32 v7, v1  }
0x5a: {  	v3 =	vld [tilespmem:s15+$0x3340];
	[tilespmem:s14+$0x9760] =	vst v2;
	v0 =	vadd.f32 v9, v0  }
0x5b: {  	v2 =	vld [tilespmem:s15+$0x3350];
	v5 =	vmul.f32 $8.000000000e+00, v12;
	[tilespmem:s14+$0x9770] =	vst v1  }
0x5c: {  	v7 =	vmul.f32 $8.000000000e+00, v8;
	v1 =	vld [tilespmem:s15+$0x3360];
	[tilespmem:s14+$0x9780] =	vst v0;
	s14 =	smov.u32 s15  }
0x5d: {  	v0 =	vld [tilespmem:s14+$0x3370];
	v6 =	vadd.f32 v6, v5  }
0x5e: {  	v9 =	vmul.f32 $8.000000000e+00, v4;
	v10 =	vld [tilespmem:s14+$0x3380]  }
0x5f: {  	v11 =	vld [tilespmem:s14+$0xFFFFFF90];
	v5 =	vmul.f32 $8.000000000e+00, v3;
	[tilespmem:s14+$0x9790] =	vst v6  }
0x60: {  	v12 =	vld [tilespmem:s14+$0xFFFFFFA0];
	v3 =	vmul.f32 $8.000000000e+00, v2  }
.Ltmp2:
0x61: {  	v8 =	vld [tilespmem:s14+$0xFFFFFFB0];
	v2 =	vmul.f32 $8.000000000e+00, v1;
	(pc) =	sbr.rel @p0 .LBB2_2-.Ltmp2, $4  }
0x62: {  	v6 =	vld [tilespmem:s14+$0xFFFFFFC0];
	v1 =	vmul.f32 $8.000000000e+00, v0  }
0x63: {  	v4 =	vld [tilespmem:s14+$0xFFFFFFD0];
	v0 =	vmul.f32 $8.000000000e+00, v10  }
0x64: {  	v10 =	vadd.f32 v11, v7;
	v7 =	vld [tilespmem:s14+$0xFFFFFFE0]  }
0x65: {  	s15 =	sshra.s32 s25, $0x2;
	s25 =	sadd.s32 $0x200, s25;
	v11 =	vadd.f32 v12, v9;
	v9 =	vld [tilespmem:s14+$0xFFFFFFF0]  }
0x66: {  	v12 =	vld [tilespmem:s15+$0x3390];
	[tilespmem:s14+$0x9720] =	vst v10;
	v5 =	vadd.f32 v8, v5  }
0x67: {  	v10 =	vld [tilespmem:s15+$0x3320];
	[tilespmem:s14+$0x9730] =	vst v11;
	v3 =	vadd.f32 v6, v3  }
0x68: {  	v8 =	vld [tilespmem:s15+$0x0];
	[tilespmem:s14+$0x9740] =	vst v5;
	v2 =	vadd.f32 v4, v2  }
0x69: {  	v5 =	vld [tilespmem:s15+$0x3330];
	[tilespmem:s14+$0x9750] =	vst v3;
	v1 =	vadd.f32 v7, v1  }
0x6a: {  	v3 =	vld [tilespmem:s15+$0x3340];
	[tilespmem:s14+$0x9760] =	vst v2;
	v0 =	vadd.f32 v9, v0  }
0x6b: {  	v2 =	vld [tilespmem:s15+$0x3350];
	[tilespmem:s14+$0x9770] =	vst v1  }
0x6c: {  	v4 =	vmul.f32 $8.000000000e+00, v12;
	v1 =	vld [tilespmem:s15+$0x3360];
	[tilespmem:s14+$0x9780] =	vst v0  }
0x6d: {  	v0 =	vld [tilespmem:s15+$0x3370]  }
0x6e: {  	v4 =	vadd.f32 v8, v4;
	v7 =	vld [tilespmem:s15+$0xFFFFFF90]  }
0x6f: {  	v8 =	vld [tilespmem:s15+$0xFFFFFFB0]  }
0x70: {  	[tilespmem:s15+$0x9790] =	vst v4;
	v4 =	vld [tilespmem:s15+$0xFFFFFFA0]  }
0x71: {  	v6 =	vld [tilespmem:s15+$0x3380]  }
0x72: {  	v9 =	vmul.f32 $8.000000000e+00, v10;
	v10 =	vld [tilespmem:s15+$0xFFFFFFC0]  }
0x73: {  	v11 =	vld [tilespmem:s15+$0xFFFFFFD0];
	v5 =	vmul.f32 $8.000000000e+00, v5;
	v3 =	vmul.f32 $8.000000000e+00, v3  }
0x74: {  	v7 =	vadd.f32 v7, v9;
	v9 =	vld [tilespmem:s15+$0xFFFFFFE0]  }
0x75: {  	v2 =	vmul.f32 $8.000000000e+00, v2;
	v3 =	vadd.f32 v8, v3;
	v4 =	vadd.f32 v4, v5;
	v5 =	vld [tilespmem:s15+$0xFFFFFFF0]  }
0x76: {  	v1 =	vmul.f32 $8.000000000e+00, v1;
	[tilespmem:s15+$0x9720] =	vst v7  }
0x77: {  	v0 =	vmul.f32 $8.000000000e+00, v0;
	v2 =	vadd.f32 v10, v2;
	[tilespmem:s15+$0x9740] =	vst v3  }
0x78: {  	v1 =	vadd.f32 v11, v1;
	[tilespmem:s15+$0x9730] =	vst v4;
	v4 =	vmul.f32 $8.000000000e+00, v6  }
0x79: {  	[tilespmem:s15+$0x9750] =	vst v2;
	v0 =	vadd.f32 v9, v0  }
0x7a: {  	[tilespmem:s15+$0x9760] =	vst v1;
	v1 =	vadd.f32 v5, v4  }
0x7b: {  	[tilespmem:s15+$0x9770] =	vst v0  }
0x7c: {  	s20 =	rddreg [dreg:$0x7];
	[tilespmem:s15+$0x9780] =	vst v1  }
0x7d: {  	[hbm4b:s20+s3] =	stream.linear.scatter [tilespmem:s7], [sflag:$0x3], $0x3200, $0x38;
	[tilespmem:$0xFB90] =	vst v63  }
0x7e: {  	s25 =	rddreg [dreg:$0x8]  }
0x7f: {  	[tilespmem:s22], [sflag:$0x5] =	stream.linear.gather [hbm4b:s25+s3], $0x68, $0x38;
	[tilespmem:$0xFB90] =	vst v63  }
0x80: {  	_ =	swait.ge [sflag:s21], $0x68  }
0x81: {  	[sflag:s21] =	ssyncset.done $0x0  }
0x82: {  	s28 =	rddreg [dreg:$0x9];
	[sflag:s21] =	ssyncadd.s32 $0xFFFFFF98  }
0x83: {  	[tilespmem:s23], [sflag:$0x5] =	stream.linear.gather [hbm4b:s28+s3], $0x60, $0x38;
	[tilespmem:$0xFB90] =	vst v63  }
0x84: {  	_ =	swait.ge [sflag:s21], $0x60  }
0x85: {  	[sflag:s21] =	ssyncset.done $0x0  }
0x86: {  	[sflag:s21] =	ssyncadd.s32 $0xFFFFFFA0  }
0x87: {  	[tilespmem:s16], [sflag:$0x1] =	stream.indirect.gather [hbm4b:s6+s24], $0x40, s22, s24, $0xb8;
	[tilespmem:$0xFB90] =	vst v63  }
0x88: {  	_ = 	snop  }
0x89: {  	[tilespmem:s17], [sflag:$0x1] =	stream.indirect.gather [hbm4b:s6+s26], $0x40, s23, s26, $0xb8;
	[tilespmem:$0xFB90] =	vst v63  }
0x8a: {  	_ =	swait.ge [sflag:s9], $0x1A00  }
0x8b: {  	[sflag:s9] =	ssyncset.done $0x0  }
0x8c: {  	[sflag:s9] =	ssyncadd.s32 $0xFFFFE600  }
0x8d: {  	_ =	swait.ge [sflag:s9], $0x1800  }
0x8e: {  	[sflag:s9] =	ssyncset.done $0x0  }
0x8f: {  	s14 =	simm.s32 $0x70;
	[sflag:s9] =	ssyncadd.s32 $0xFFFFE800  }
0x90: {  	v0 =	vld [tilespmem:s14+$0x6590]  }
0x91: {  	v1 =	vld [tilespmem:s14+$0x6520]  }
0x92: {  	v2 =	vld [tilespmem:s14+$0x0]  }
0x93: {  	v3 =	vld [tilespmem:s14+$0x6530]  }
0x94: {  	v4 =	vld [tilespmem:s14+$0x6540]  }
0x95: {  	v5 =	vld [tilespmem:s14+$0x6550]  }
0x96: {  	v6 =	vld [tilespmem:s14+$0x6560]  }
0x97: {  	v9 =	vld [tilespmem:s14+$0x6570]  }
0x98: {  	v10 =	vld [tilespmem:s14+$0x6580]  }
0x99: {  	v11 =	vld [tilespmem:s14+$0xFFFFFF90]  }
0x9a: {  	v63 =	vld [tilespmem:s14+$0xFFFFFFA0];
	v0 =	vmul.f32 $8.000000000e+00, v0  }
0x9b: {  	v8 =	vld [tilespmem:s14+$0xFFFFFFB0]  }
0x9c: {  	v7 =	vld [tilespmem:s14+$0xFFFFFFC0];
	v13 =	vmul.f32 $8.000000000e+00, v1;
	v14 =	vmul.f32 $8.000000000e+00, v3;
	v0 =	vadd.f32 v2, v0  }
0x9d: {  	v4 =	vmul.f32 $8.000000000e+00, v4;
	v3 =	vmul.f32 $8.000000000e+00, v5;
	v5 =	vld [tilespmem:s14+$0xFFFFFFD0]  }
0x9e: {  	v2 =	vmul.f32 $8.000000000e+00, v6;
	v6 =	vld [tilespmem:s14+$0xFFFFFFE0];
	[tilespmem:s14+$0xC990] =	vst v0;
	v0 =	vmul.f32 $8.000000000e+00, v10;
	v10 =	vadd.f32 v11, v13  }
0x9f: {  	s15 =	simm.s32 $0xF0;
	s25 =	simm.s32 $0x5C0;
	v1 =	vmul.f32 $8.000000000e+00, v9;
	v9 =	vld [tilespmem:s14+$0xFFFFFFF0];
	v11 =	vadd.f32 v63, v14  }
.LBB2_4:
0xa0: {  	p0 =	sne.s32 s25, $0xC7C0;
	v12 =	vld [tilespmem:s15+$0x6590];
	[tilespmem:s14+$0xC920] =	vst v10;
	v4 =	vadd.f32 v8, v4  }
0xa1: {  	v8 =	vld [tilespmem:s15+$0x6520];
	[tilespmem:s14+$0xC930] =	vst v11;
	v3 =	vadd.f32 v7, v3  }
0xa2: {  	v7 =	vld [tilespmem:s15+$0x0];
	[tilespmem:s14+$0xC940] =	vst v4;
	v2 =	vadd.f32 v5, v2  }
0xa3: {  	v4 =	vld [tilespmem:s15+$0x6530];
	[tilespmem:s14+$0xC950] =	vst v3;
	v1 =	vadd.f32 v6, v1  }
0xa4: {  	v3 =	vld [tilespmem:s15+$0x6540];
	[tilespmem:s14+$0xC960] =	vst v2;
	v0 =	vadd.f32 v9, v0  }
0xa5: {  	v2 =	vld [tilespmem:s15+$0x6550];
	v5 =	vmul.f32 $8.000000000e+00, v12;
	[tilespmem:s14+$0xC970] =	vst v1  }
0xa6: {  	v6 =	vmul.f32 $8.000000000e+00, v8;
	v1 =	vld [tilespmem:s15+$0x6560];
	[tilespmem:s14+$0xC980] =	vst v0;
	s14 =	smov.u32 s15  }
0xa7: {  	v0 =	vld [tilespmem:s14+$0x6570];
	v5 =	vadd.f32 v7, v5  }
0xa8: {  	v9 =	vmul.f32 $8.000000000e+00, v4;
	v10 =	vld [tilespmem:s14+$0x6580]  }
0xa9: {  	v11 =	vld [tilespmem:s14+$0xFFFFFF90];
	v4 =	vmul.f32 $8.000000000e+00, v3;
	[tilespmem:s14+$0xC990] =	vst v5  }
0xaa: {  	v12 =	vld [tilespmem:s14+$0xFFFFFFA0];
	v3 =	vmul.f32 $8.000000000e+00, v2  }
.Ltmp3:
0xab: {  	v8 =	vld [tilespmem:s14+$0xFFFFFFB0];
	v2 =	vmul.f32 $8.000000000e+00, v1;
	(pc) =	sbr.rel @p0 .LBB2_4-.Ltmp3, $4  }
0xac: {  	v7 =	vld [tilespmem:s14+$0xFFFFFFC0];
	v1 =	vmul.f32 $8.000000000e+00, v0  }
0xad: {  	v5 =	vld [tilespmem:s14+$0xFFFFFFD0];
	v0 =	vmul.f32 $8.000000000e+00, v10  }
0xae: {  	v10 =	vadd.f32 v11, v6;
	v6 =	vld [tilespmem:s14+$0xFFFFFFE0]  }
0xaf: {  	s15 =	sshra.s32 s25, $0x2;
	s25 =	sadd.s32 $0x200, s25;
	v11 =	vadd.f32 v12, v9;
	v9 =	vld [tilespmem:s14+$0xFFFFFFF0]  }
0xb0: {  	v12 =	vld [tilespmem:s15+$0x6590];
	[tilespmem:s14+$0xC920] =	vst v10;
	v4 =	vadd.f32 v8, v4  }
0xb1: {  	v10 =	vld [tilespmem:s15+$0x6520];
	[tilespmem:s14+$0xC930] =	vst v11;
	v3 =	vadd.f32 v7, v3  }
0xb2: {  	v52 =	vld [tilespmem:s15+$0x0];
	[tilespmem:s14+$0xC940] =	vst v4;
	v2 =	vadd.f32 v5, v2  }
0xb3: {  	v4 =	vld [tilespmem:s15+$0x6530];
	[tilespmem:s14+$0xC950] =	vst v3;
	v1 =	vadd.f32 v6, v1  }
0xb4: {  	v3 =	vld [tilespmem:s15+$0x6540];
	[tilespmem:s14+$0xC960] =	vst v2;
	v0 =	vadd.f32 v9, v0  }
0xb5: {  	v2 =	vld [tilespmem:s15+$0x6550];
	[tilespmem:s14+$0xC970] =	vst v1  }
0xb6: {  	v1 =	vld [tilespmem:s15+$0x6560];
	[tilespmem:s14+$0xC980] =	vst v0  }
0xb7: {  	v0 =	vld [tilespmem:s15+$0x6570]  }
0xb8: {  	v54 =	vld [tilespmem:s15+$0x6580]  }
0xb9: {  	v55 =	vld [tilespmem:s15+$0xFFFFFF90]  }
0xba: {  	v56 =	vld [tilespmem:s15+$0xFFFFFFA0]  }
0xbb: {  	v53 =	vmul.f32 $8.000000000e+00, v12;
	v57 =	vld [tilespmem:s15+$0xFFFFFFB0]  }
0xbc: {  	v58 =	vmul.f32 $8.000000000e+00, v10;
	v59 =	vld [tilespmem:s15+$0xFFFFFFC0]  }
0xbd: {  	v5 =	vadd.f32 v52, v53;
	v11 =	vld [tilespmem:s15+$0xFFFFFFD0];
	v4 =	vmul.f32 $8.000000000e+00, v4  }
0xbe: {  	v60 =	vld [tilespmem:s15+$0xFFFFFFE0];
	v3 =	vmul.f32 $8.000000000e+00, v3;
	v7 =	vadd.f32 v55, v58  }
0xbf: {  	v61 =	vld [tilespmem:s15+$0xFFFFFFF0];
	[tilespmem:s15+$0xC990] =	vst v5;
	v2 =	vmul.f32 $8.000000000e+00, v2;
	v4 =	vadd.f32 v56, v4  }
0xc0: {  	v1 =	vmul.f32 $8.000000000e+00, v1;
	v3 =	vadd.f32 v57, v3;
	[tilespmem:s15+$0xC920] =	vst v7  }
0xc1: {  	v0 =	vmul.f32 $8.000000000e+00, v0;
	v2 =	vadd.f32 v59, v2;
	[tilespmem:s15+$0xC930] =	vst v4  }
0xc2: {  	v62 =	vmul.f32 $8.000000000e+00, v54;
	v1 =	vadd.f32 v11, v1;
	[tilespmem:s15+$0xC940] =	vst v3  }
0xc3: {  	[tilespmem:s15+$0xC950] =	vst v2;
	v0 =	vadd.f32 v60, v0  }
0xc4: {  	v63 =	vadd.f32 v61, v62;
	[tilespmem:s15+$0xC960] =	vst v1  }
0xc5: {  	[tilespmem:s15+$0xC970] =	vst v0  }
0xc6: {  	s20 =	rddreg [dreg:$0xa];
	[tilespmem:s15+$0xC980] =	vst v63  }
0xc7: {  	[hbm4b:s20+s3] =	stream.linear.scatter [tilespmem:s10], [sflag:$0x4], $0x3200, $0x38;
	[tilespmem:$0xFB90] =	vst v63  }
0xc8: {  	s25 =	rddreg [dreg:$0xb]  }
0xc9: {  	[tilespmem:s29], [sflag:$0x5] =	stream.linear.gather [hbm4b:s25+s3], $0x68, $0x38;
	[tilespmem:$0xFB90] =	vst v63  }
0xca: {  	_ =	swait.ge [sflag:s21], $0x68  }
0xcb: {  	[sflag:s21] =	ssyncset.done $0x0  }
0xcc: {  	s28 =	rddreg [dreg:$0xc];
	[sflag:s21] =	ssyncadd.s32 $0xFFFFFF98  }
0xcd: {  	[tilespmem:s30], [sflag:$0x5] =	stream.linear.gather [hbm4b:s28+s3], $0x60, $0x38;
	[tilespmem:$0xFB90] =	vst v63  }
0xce: {  	_ =	swait.ge [sflag:s21], $0x60  }
0xcf: {  	[sflag:s21] =	ssyncset.done $0x0  }
0xd0: {  	[sflag:s21] =	ssyncadd.s32 $0xFFFFFFA0  }
0xd1: {  	[tilespmem:s31], [sflag:$0x2] =	stream.indirect.gather [hbm4b:s6+s24], $0x40, s29, s24, $0xb8;
	[tilespmem:$0xFB90] =	vst v63  }
0xd2: {  	s14 =	simm.s32 $0x1  }
0xd3: {  	[tilespmem:s0], [sflag:$0x2] =	stream.indirect.gather [hbm4b:s6+s26], $0x40, s30, s26, $0xb8;
	[tilespmem:$0xFB90] =	vst v63  }
.LBB2_6:
0xd4: {  	_ =	swait.ge [sflag:s1], $0x1A00  }
0xd5: {  	[sflag:s1] =	ssyncset.done $0x0  }
0xd6: {  	[sflag:s1] =	ssyncadd.s32 $0xFFFFE600  }
0xd7: {  	_ =	swait.ge [sflag:s1], $0x1800  }
0xd8: {  	[sflag:s1] =	ssyncset.done $0x0  }
0xd9: {  	[sflag:s1] =	ssyncadd.s32 $0xFFFFE800  }
0xda: {  	_ =	swait.ge [sflag:s11], $0x3200  }
0xdb: {  	[sflag:s11] =	ssyncset.done $0x0  }
0xdc: {  	s25 =	simm.s32 $0x70;
	[sflag:s11] =	ssyncadd.s32 $0xFFFFCE00  }
0xdd: {  	v0 =	vld [tilespmem:s25+$0x3390]  }
0xde: {  	v1 =	vld [tilespmem:s25+$0x3320]  }
0xdf: {  	v2 =	vld [tilespmem:s25+$0x0]  }
0xe0: {  	v3 =	vld [tilespmem:s25+$0x3330]  }
0xe1: {  	v4 =	vld [tilespmem:s25+$0x3340]  }
0xe2: {  	v7 =	vld [tilespmem:s25+$0x3350]  }
0xe3: {  	v9 =	vld [tilespmem:s25+$0x3360]  }
0xe4: {  	v11 =	vld [tilespmem:s25+$0x3370]  }
0xe5: {  	v12 =	vld [tilespmem:s25+$0x3380];
	v0 =	vmul.f32 $8.000000000e+00, v0  }
0xe6: {  	v10 =	vld [tilespmem:s25+$0xFFFFFF90]  }
0xe7: {  	v13 =	vld [tilespmem:s25+$0xFFFFFFA0];
	v0 =	vadd.f32 v2, v0  }
0xe8: {  	v8 =	vld [tilespmem:s25+$0xFFFFFFB0]  }
0xe9: {  	v6 =	vld [tilespmem:s25+$0xFFFFFFC0];
	[tilespmem:s25+$0x9790] =	vst v0;
	v0 =	vmul.f32 $8.000000000e+00, v1  }
0xea: {  	v14 =	vmul.f32 $8.000000000e+00, v3;
	v5 =	vmul.f32 $8.000000000e+00, v4;
	v4 =	vld [tilespmem:s25+$0xFFFFFFD0]  }
0xeb: {  	v3 =	vmul.f32 $8.000000000e+00, v7;
	v7 =	vld [tilespmem:s25+$0xFFFFFFE0];
	v2 =	vmul.f32 $8.000000000e+00, v9;
	v10 =	vadd.f32 v10, v0  }
0xec: {  	s15 =	simm.s32 $0xF0;
	s28 =	simm.s32 $0x5C0;
	v9 =	vld [tilespmem:s25+$0xFFFFFFF0];
	v1 =	vmul.f32 $8.000000000e+00, v11;
	v11 =	vadd.f32 v13, v14;
	v0 =	vmul.f32 $8.000000000e+00, v12  }
.LBB2_7:
0xed: {  	p0 =	sne.s32 s28, $0xC7C0;
	v12 =	vld [tilespmem:s15+$0x3390];
	[tilespmem:s25+$0x9720] =	vst v10;
	v5 =	vadd.f32 v8, v5  }
0xee: {  	v8 =	vld [tilespmem:s15+$0x3320];
	[tilespmem:s25+$0x9730] =	vst v11;
	v3 =	vadd.f32 v6, v3  }
0xef: {  	v6 =	vld [tilespmem:s15+$0x0];
	[tilespmem:s25+$0x9740] =	vst v5;
	v2 =	vadd.f32 v4, v2  }
0xf0: {  	v4 =	vld [tilespmem:s15+$0x3330];
	[tilespmem:s25+$0x9750] =	vst v3;
	v1 =	vadd.f32 v7, v1  }
0xf1: {  	v3 =	vld [tilespmem:s15+$0x3340];
	[tilespmem:s25+$0x9760] =	vst v2;
	v0 =	vadd.f32 v9, v0  }
0xf2: {  	v2 =	vld [tilespmem:s15+$0x3350];
	v5 =	vmul.f32 $8.000000000e+00, v12;
	[tilespmem:s25+$0x9770] =	vst v1  }
0xf3: {  	v7 =	vmul.f32 $8.000000000e+00, v8;
	v1 =	vld [tilespmem:s15+$0x3360];
	[tilespmem:s25+$0x9780] =	vst v0;
	s25 =	smov.u32 s15  }
0xf4: {  	v0 =	vld [tilespmem:s25+$0x3370];
	v6 =	vadd.f32 v6, v5  }
0xf5: {  	v9 =	vmul.f32 $8.000000000e+00, v4;
	v10 =	vld [tilespmem:s25+$0x3380]  }
0xf6: {  	v11 =	vld [tilespmem:s25+$0xFFFFFF90];
	v5 =	vmul.f32 $8.000000000e+00, v3;
	[tilespmem:s25+$0x9790] =	vst v6  }
0xf7: {  	v12 =	vld [tilespmem:s25+$0xFFFFFFA0];
	v3 =	vmul.f32 $8.000000000e+00, v2  }
.Ltmp4:
0xf8: {  	v8 =	vld [tilespmem:s25+$0xFFFFFFB0];
	v2 =	vmul.f32 $8.000000000e+00, v1;
	(pc) =	sbr.rel @p0 .LBB2_7-.Ltmp4, $4  }
0xf9: {  	v6 =	vld [tilespmem:s25+$0xFFFFFFC0];
	v1 =	vmul.f32 $8.000000000e+00, v0  }
0xfa: {  	v4 =	vld [tilespmem:s25+$0xFFFFFFD0];
	v0 =	vmul.f32 $8.000000000e+00, v10  }
0xfb: {  	v10 =	vadd.f32 v11, v7;
	v7 =	vld [tilespmem:s25+$0xFFFFFFE0]  }
0xfc: {  	s15 =	sshra.s32 s28, $0x2;
	s28 =	sadd.s32 $0x200, s28;
	v11 =	vadd.f32 v12, v9;
	v9 =	vld [tilespmem:s25+$0xFFFFFFF0]  }
0xfd: {  	v12 =	vld [tilespmem:s15+$0x3390];
	[tilespmem:s25+$0x9720] =	vst v10;
	v5 =	vadd.f32 v8, v5  }
0xfe: {  	v10 =	vld [tilespmem:s15+$0x3320];
	[tilespmem:s25+$0x9730] =	vst v11;
	v3 =	vadd.f32 v6, v3  }
0xff: {  	v8 =	vld [tilespmem:s15+$0x0];
	[tilespmem:s25+$0x9740] =	vst v5;
	v2 =	vadd.f32 v4, v2  }
0x100: {  	v5 =	vld [tilespmem:s15+$0x3330];
	[tilespmem:s25+$0x9750] =	vst v3;
	v1 =	vadd.f32 v7, v1  }
0x101: {  	v3 =	vld [tilespmem:s15+$0x3340];
	[tilespmem:s25+$0x9760] =	vst v2;
	v0 =	vadd.f32 v9, v0  }
0x102: {  	v2 =	vld [tilespmem:s15+$0x3350];
	[tilespmem:s25+$0x9770] =	vst v1  }
0x103: {  	v4 =	vmul.f32 $8.000000000e+00, v12;
	v1 =	vld [tilespmem:s15+$0x3360];
	[tilespmem:s25+$0x9780] =	vst v0  }
0x104: {  	v0 =	vld [tilespmem:s15+$0x3370]  }
0x105: {  	v4 =	vadd.f32 v8, v4;
	v7 =	vld [tilespmem:s15+$0xFFFFFF90]  }
0x106: {  	v8 =	vld [tilespmem:s15+$0xFFFFFFB0]  }
0x107: {  	[tilespmem:s15+$0x9790] =	vst v4;
	v4 =	vld [tilespmem:s15+$0xFFFFFFA0]  }
0x108: {  	v6 =	vld [tilespmem:s15+$0x3380]  }
0x109: {  	v9 =	vmul.f32 $8.000000000e+00, v10;
	v10 =	vld [tilespmem:s15+$0xFFFFFFC0]  }
0x10a: {  	v11 =	vld [tilespmem:s15+$0xFFFFFFD0];
	v5 =	vmul.f32 $8.000000000e+00, v5;
	v3 =	vmul.f32 $8.000000000e+00, v3  }
0x10b: {  	v7 =	vadd.f32 v7, v9;
	v9 =	vld [tilespmem:s15+$0xFFFFFFE0]  }
0x10c: {  	v2 =	vmul.f32 $8.000000000e+00, v2;
	v3 =	vadd.f32 v8, v3;
	v4 =	vadd.f32 v4, v5;
	v5 =	vld [tilespmem:s15+$0xFFFFFFF0]  }
0x10d: {  	s25 =	sshll.u32 s14, $0x1;
	v1 =	vmul.f32 $8.000000000e+00, v1;
	[tilespmem:s15+$0x9720] =	vst v7  }
0x10e: {  	s16 =	sadd.s32 s5, s25;
	v0 =	vmul.f32 $8.000000000e+00, v0;
	v2 =	vadd.f32 v10, v2;
	[tilespmem:s15+$0x9740] =	vst v3  }
0x10f: {  	p0 =	seq.s32 s14, $0xF;
	s16 =	smul.u32 $0x640, s16;
	v1 =	vadd.f32 v11, v1;
	[tilespmem:s15+$0x9730] =	vst v4;
	v4 =	vmul.f32 $8.000000000e+00, v6  }
0x110: {  	s28 =	sadd.s32 @!p0 s25, s18;
	[tilespmem:s15+$0x9750] =	vst v2;
	v0 =	vadd.f32 v9, v0  }
0x111: {  	s20 =	sadd.s32 s2, s16;
	s16 =	smul.u32 @!p0 $0xC8, s28;
	[tilespmem:s15+$0x9760] =	vst v1;
	v1 =	vadd.f32 v5, v4  }
0x112: {  	[tilespmem:s15+$0x9770] =	vst v0  }
0x113: {  	[tilespmem:s15+$0x9780] =	vst v1;
	s15 =	sshrl.u32 @!p0 s16, $0x3  }
0x114: {  	[hbm4b:s20+s3] =	stream.linear.scatter [tilespmem:s7], [sflag:$0x3], $0x3200, $0x38;
	[tilespmem:$0xFB90] =	vst v63  }
0x115: {  	s17 =	simm.s32 @!p0 $0x3200;
	s28 =	simm.s32 @!p0 $0x0;
	s15 =	sadd.s32 @!p0 s4, s15  }
0x116: {  	[tilespmem:s17], [sflag:$0x5] =	stream.linear.gather @!p0 [hbm4b:s15+s28], $0x68, $0x38;
	[tilespmem:$0xFB90] =	vst v63  }
0x117: {  	s15 =	simm.s32 @!p0 $0x5  }
0x118: {  	s16 =	sadd.s32 @!p0 $0x68, s16;
	_ =	swait.ge @!p0 [sflag:s15], $0x68  }
0x119: {  	s16 =	sshrl.u32 @!p0 s16, $0x3;
	[sflag:s15] =	ssyncset.done @!p0 $0x0  }
0x11a: {  	s20 =	simm.s32 @!p0 $0x32D0;
	s16 =	sadd.s32 @!p0 s4, s16;
	[sflag:s15] =	ssyncadd.s32 @!p0 $0xFFFFFF98  }
0x11b: {  	[tilespmem:s20], [sflag:$0x5] =	stream.linear.gather @!p0 [hbm4b:s16+s28], $0x60, $0x38;
	[tilespmem:$0xFB90] =	vst v63  }
0x11c: {  	_ =	swait.ge @!p0 [sflag:s15], $0x60  }
0x11d: {  	[sflag:s15] =	ssyncset.done @!p0 $0x0  }
0x11e: {  	s16 =	simm.s32 @!p0 $0x3390;
	[sflag:s15] =	ssyncadd.s32 @!p0 $0xFFFFFFA0;
	s15 =	simm.s32 @!p0 $0x68  }
0x11f: {  	[tilespmem:s16], [sflag:$0x1] =	stream.indirect.gather @!p0 [hbm4b:s6+s15], $0x40, s17, s15, $0xb8;
	[tilespmem:$0xFB90] =	vst v63  }
0x120: {  	s15 =	simm.s32 @!p0 $0x60;
	s16 =	simm.s32 @!p0 $0x4D90  }
0x121: {  	[tilespmem:s16], [sflag:$0x1] =	stream.indirect.gather @!p0 [hbm4b:s6+s15], $0x40, s20, s15, $0xb8;
	[tilespmem:$0xFB90] =	vst v63  }
0x122: {  	_ =	swait.ge [sflag:s9], $0x1A00  }
0x123: {  	[sflag:s9] =	ssyncset.done $0x0  }
0x124: {  	[sflag:s9] =	ssyncadd.s32 $0xFFFFE600  }
0x125: {  	_ =	swait.ge [sflag:s9], $0x1800  }
0x126: {  	[sflag:s9] =	ssyncset.done $0x0  }
0x127: {  	[sflag:s9] =	ssyncadd.s32 $0xFFFFE800  }
0x128: {  	_ =	swait.ge [sflag:s12], $0x3200  }
0x129: {  	[sflag:s12] =	ssyncset.done $0x0  }
0x12a: {  	s15 =	simm.s32 $0x70;
	[sflag:s12] =	ssyncadd.s32 $0xFFFFCE00  }
0x12b: {  	v0 =	vld [tilespmem:s15+$0x6590]  }
0x12c: {  	v1 =	vld [tilespmem:s15+$0x6520]  }
0x12d: {  	v2 =	vld [tilespmem:s15+$0x0]  }
0x12e: {  	v3 =	vld [tilespmem:s15+$0x6530]  }
0x12f: {  	v4 =	vld [tilespmem:s15+$0x6540]  }
0x130: {  	v5 =	vld [tilespmem:s15+$0x6550]  }
0x131: {  	v6 =	vld [tilespmem:s15+$0x6560]  }
0x132: {  	v9 =	vld [tilespmem:s15+$0x6570]  }
0x133: {  	v10 =	vld [tilespmem:s15+$0x6580]  }
0x134: {  	v11 =	vld [tilespmem:s15+$0xFFFFFF90]  }
0x135: {  	v63 =	vld [tilespmem:s15+$0xFFFFFFA0];
	v0 =	vmul.f32 $8.000000000e+00, v0  }
0x136: {  	v8 =	vld [tilespmem:s15+$0xFFFFFFB0]  }
0x137: {  	v7 =	vld [tilespmem:s15+$0xFFFFFFC0];
	v13 =	vmul.f32 $8.000000000e+00, v1;
	v14 =	vmul.f32 $8.000000000e+00, v3;
	v0 =	vadd.f32 v2, v0  }
0x138: {  	v4 =	vmul.f32 $8.000000000e+00, v4;
	v3 =	vmul.f32 $8.000000000e+00, v5;
	v5 =	vld [tilespmem:s15+$0xFFFFFFD0]  }
0x139: {  	v2 =	vmul.f32 $8.000000000e+00, v6;
	v6 =	vld [tilespmem:s15+$0xFFFFFFE0];
	[tilespmem:s15+$0xC990] =	vst v0;
	v0 =	vmul.f32 $8.000000000e+00, v10;
	v10 =	vadd.f32 v11, v13  }
0x13a: {  	s28 =	simm.s32 $0xF0;
	s16 =	simm.s32 $0x5C0;
	v1 =	vmul.f32 $8.000000000e+00, v9;
	v9 =	vld [tilespmem:s15+$0xFFFFFFF0];
	v11 =	vadd.f32 v63, v14  }
.LBB2_9:
0x13b: {  	p1 =	sne.s32 s16, $0xC7C0;
	v12 =	vld [tilespmem:s28+$0x6590];
	[tilespmem:s15+$0xC920] =	vst v10;
	v4 =	vadd.f32 v8, v4  }
0x13c: {  	v8 =	vld [tilespmem:s28+$0x6520];
	[tilespmem:s15+$0xC930] =	vst v11;
	v3 =	vadd.f32 v7, v3  }
0x13d: {  	v7 =	vld [tilespmem:s28+$0x0];
	[tilespmem:s15+$0xC940] =	vst v4;
	v2 =	vadd.f32 v5, v2  }
0x13e: {  	v4 =	vld [tilespmem:s28+$0x6530];
	[tilespmem:s15+$0xC950] =	vst v3;
	v1 =	vadd.f32 v6, v1  }
0x13f: {  	v3 =	vld [tilespmem:s28+$0x6540];
	[tilespmem:s15+$0xC960] =	vst v2;
	v0 =	vadd.f32 v9, v0  }
0x140: {  	v2 =	vld [tilespmem:s28+$0x6550];
	v5 =	vmul.f32 $8.000000000e+00, v12;
	[tilespmem:s15+$0xC970] =	vst v1  }
0x141: {  	v6 =	vmul.f32 $8.000000000e+00, v8;
	v1 =	vld [tilespmem:s28+$0x6560];
	[tilespmem:s15+$0xC980] =	vst v0;
	s15 =	smov.u32 s28  }
0x142: {  	v0 =	vld [tilespmem:s15+$0x6570];
	v5 =	vadd.f32 v7, v5  }
0x143: {  	v9 =	vmul.f32 $8.000000000e+00, v4;
	v10 =	vld [tilespmem:s15+$0x6580]  }
0x144: {  	v11 =	vld [tilespmem:s15+$0xFFFFFF90];
	v4 =	vmul.f32 $8.000000000e+00, v3;
	[tilespmem:s15+$0xC990] =	vst v5  }
0x145: {  	v12 =	vld [tilespmem:s15+$0xFFFFFFA0];
	v3 =	vmul.f32 $8.000000000e+00, v2  }
.Ltmp5:
0x146: {  	v8 =	vld [tilespmem:s15+$0xFFFFFFB0];
	v2 =	vmul.f32 $8.000000000e+00, v1;
	(pc) =	sbr.rel @p1 .LBB2_9-.Ltmp5, $4  }
0x147: {  	v7 =	vld [tilespmem:s15+$0xFFFFFFC0];
	v1 =	vmul.f32 $8.000000000e+00, v0  }
0x148: {  	v5 =	vld [tilespmem:s15+$0xFFFFFFD0];
	v0 =	vmul.f32 $8.000000000e+00, v10  }
0x149: {  	v10 =	vadd.f32 v11, v6;
	v6 =	vld [tilespmem:s15+$0xFFFFFFE0]  }
0x14a: {  	s28 =	sshra.s32 s16, $0x2;
	s16 =	sadd.s32 $0x200, s16;
	v11 =	vadd.f32 v12, v9;
	v9 =	vld [tilespmem:s15+$0xFFFFFFF0]  }
0x14b: {  	v12 =	vld [tilespmem:s28+$0x6590];
	[tilespmem:s15+$0xC920] =	vst v10;
	v4 =	vadd.f32 v8, v4  }
0x14c: {  	v10 =	vld [tilespmem:s28+$0x6520];
	[tilespmem:s15+$0xC930] =	vst v11;
	v3 =	vadd.f32 v7, v3  }
0x14d: {  	v52 =	vld [tilespmem:s28+$0x0];
	[tilespmem:s15+$0xC940] =	vst v4;
	v2 =	vadd.f32 v5, v2  }
0x14e: {  	v4 =	vld [tilespmem:s28+$0x6530];
	[tilespmem:s15+$0xC950] =	vst v3;
	v1 =	vadd.f32 v6, v1  }
0x14f: {  	v3 =	vld [tilespmem:s28+$0x6540];
	[tilespmem:s15+$0xC960] =	vst v2;
	v0 =	vadd.f32 v9, v0  }
0x150: {  	v2 =	vld [tilespmem:s28+$0x6550];
	[tilespmem:s15+$0xC970] =	vst v1  }
0x151: {  	v1 =	vld [tilespmem:s28+$0x6560];
	[tilespmem:s15+$0xC980] =	vst v0  }
0x152: {  	v0 =	vld [tilespmem:s28+$0x6570]  }
0x153: {  	v54 =	vld [tilespmem:s28+$0x6580]  }
0x154: {  	v55 =	vld [tilespmem:s28+$0xFFFFFF90]  }
0x155: {  	v56 =	vld [tilespmem:s28+$0xFFFFFFA0]  }
0x156: {  	v53 =	vmul.f32 $8.000000000e+00, v12;
	v57 =	vld [tilespmem:s28+$0xFFFFFFB0]  }
0x157: {  	v58 =	vmul.f32 $8.000000000e+00, v10;
	v59 =	vld [tilespmem:s28+$0xFFFFFFC0]  }
0x158: {  	v5 =	vadd.f32 v52, v53;
	v11 =	vld [tilespmem:s28+$0xFFFFFFD0];
	v4 =	vmul.f32 $8.000000000e+00, v4  }
0x159: {  	v60 =	vld [tilespmem:s28+$0xFFFFFFE0];
	v3 =	vmul.f32 $8.000000000e+00, v3;
	v7 =	vadd.f32 v55, v58  }
0x15a: {  	v61 =	vld [tilespmem:s28+$0xFFFFFFF0];
	[tilespmem:s28+$0xC990] =	vst v5;
	v2 =	vmul.f32 $8.000000000e+00, v2;
	v4 =	vadd.f32 v56, v4  }
0x15b: {  	v1 =	vmul.f32 $8.000000000e+00, v1;
	v3 =	vadd.f32 v57, v3;
	[tilespmem:s28+$0xC920] =	vst v7  }
0x15c: {  	s20 =	sadd.s32 s25, s5;
	v0 =	vmul.f32 $8.000000000e+00, v0;
	v2 =	vadd.f32 v59, v2;
	[tilespmem:s28+$0xC930] =	vst v4  }
0x15d: {  	s15 =	smul.u32 $0x640, s20;
	v62 =	vmul.f32 $8.000000000e+00, v54;
	v1 =	vadd.f32 v11, v1;
	[tilespmem:s28+$0xC940] =	vst v3  }
.Ltmp6:
0x15e: {  	[tilespmem:s28+$0xC950] =	vst v2;
	v0 =	vadd.f32 v60, v0;
	(pc) =	sbr.rel @p0 .LBB2_12-.Ltmp6, $4  }
0x15f: {  	v63 =	vadd.f32 v61, v62;
	[tilespmem:s28+$0xC960] =	vst v1  }
0x160: {  	s15 =	sadd.s32 s2, s15;
	[tilespmem:s28+$0xC970] =	vst v0  }
0x161: {  	s15 =	sadd.s32 $0x640, s15;
	[tilespmem:s28+$0xC980] =	vst v63  }
0x162: {  	[hbm4b:s15+s3] =	stream.linear.scatter [tilespmem:s10], [sflag:$0x4], $0x3200, $0x38;
	[tilespmem:$0xFB90] =	vst v63  }
0x163: {  	s15 =	sadd.s32 s25, s19  }
0x164: {  	s15 =	smul.u32 $0xC8, s15;
	_ =	sdelay $0x1  }
0x165: {  	s16 =	sshrl.u32 s15, $0x3  }
0x166: {  	s16 =	sadd.s32 s4, s16  }
0x167: {  	[tilespmem:s29], [sflag:$0x5] =	stream.linear.gather [hbm4b:s16+s3], $0x68, $0x38;
	[tilespmem:$0xFB90] =	vst v63  }
0x168: {  	s15 =	sadd.s32 $0x68, s15;
	_ =	swait.ge [sflag:s21], $0x68  }
0x169: {  	s15 =	sshrl.u32 s15, $0x3;
	[sflag:s21] =	ssyncset.done $0x0  }
0x16a: {  	s15 =	sadd.s32 s4, s15;
	[sflag:s21] =	ssyncadd.s32 $0xFFFFFF98  }
0x16b: {  	[tilespmem:s30], [sflag:$0x5] =	stream.linear.gather [hbm4b:s15+s3], $0x60, $0x38;
	[tilespmem:$0xFB90] =	vst v63  }
0x16c: {  	_ =	swait.ge [sflag:s21], $0x60  }
.Ltmp7:
0x16d: {  	[sflag:s21] =	ssyncset.done $0x0;
	(pc) =	sbr.rel .LBB2_6-.Ltmp7, $4  }
0x16e: {  	[sflag:s21] =	ssyncadd.s32 $0xFFFFFFA0  }
0x16f: {  	[tilespmem:s31], [sflag:$0x2] =	stream.indirect.gather [hbm4b:s6+s24], $0x40, s29, s24, $0xb8;
	[tilespmem:$0xFB90] =	vst v63  }
0x170: {  	s14 =	sadd.s32 $0x1, s14  }
0x171: {  	[tilespmem:s0], [sflag:$0x2] =	stream.indirect.gather [hbm4b:s6+s26], $0x40, s30, s26, $0xb8;
	[tilespmem:$0xFB90] =	vst v63  }
.LBB2_13:
0x172: {  	_ =	sfence.sel $0x180000  }
0x173: {  	[bflag:$0x0] =	sbarrier.arrive $0xFFFF  }
0x174: {  	_ =	strace $0x90000047  }
0x175: {  	s0 =	stileid.u32;
	[bflag:$0x2] =	sbarrier.arrive $0xFFFF  }
0x176: {  	p0 =	sne.s32 s0, $0x0;
	s0 =	rddreg [dreg:$0x2]  }
0x177: {  	s0 =	sadd.s32 @!p0 $0x100000, s0  }
0x178: {  	[sflag:s0] =	ssyncadd.tile.s32 @!p0 $0x1;
	_ =	shalt  }
.Lfunc_end2:
_tile_overlayer_lowered:
.L_overlay_start_2:
0x179: {  	(tag) =	ssettag $0x2  }
0x17a: {  	s0 =	rddreg [dreg:$0x0];
	s2 =	stileid.u32  }
0x17b: {  	s1 =	rddreg [dreg:$0x1];
	p0 =	sne.s32 s2, $0x0  }
0x17c: {  	s3 =	rddreg [dreg:$0x2];
	[bflag:$0x3] =	sbarrier.arrive $0xFFFF;
	s2 =	simm.s32 @!p0 $0x1C05  }
0x17d: {  	[timem:s3], [sflag:s2] =	dma.local @!p0 [hbm:s0], s1  }
0x17e: {  	s0 =	simm.s32 @!p0 $0x5  }
0x17f: {  	_ =	swait.ge @!p0 [sflag:s0], s1  }
0x180: {  	s1 =	ssub.s32 @!p0 $0x0, s1;
	[sflag:s0] =	ssyncset.done @!p0 $0x0  }
0x181: {  	[sflag:s0] =	ssyncadd.s32 @!p0 s1  }
0x182: {  	[bflag:$0x3] =	sbarrier.arrive $0xFFFF  }
0x183: {  	_ =	shalt  }

// kernel: sparse-core-data-format-call.cloned.1.call-start
scs
called_computation_lowered:
.L_overlay_start_0:
0x0: {  	s2 =	sld [smem:$0x3FD9]  }
0x1: {  	s3 =	sld [smem:$0x3FFE];
	_ =	sdelay $0x1  }
0x2: {  	s1 =	srdreg.scid  }
0x3: {  	s0 =	sand.u32 $0x1, s1  }
0x4: {  	s18 =	sshll.u32 s0, $0xA;
	s2 =	sadd.s32 s3, s2  }
0x5: {  	s2 =	sadd.s32 s2, s18  }
0x6: {  	[smem:$0x3FC5] =	sst s2  }
0x7: {  	_ = 	snop  }
0x8: {  	s2 =	sld [smem:$0x3FD0];
	(tm) =	ssettm $0x1  }
0x9: {  	s19 =	sld [smem:$0x3FFB];
	_ =	sdelay $0x3  }
0xa: {  	_ =	strace s19  }
0xb: {  	s3 =	sld [smem:$0x3FFC];
	_ =	sdelay $0x3  }
0xc: {  	_ =	strace s3  }
0xd: {  	s3 =	sld [smem:$0x3FFD];
	_ =	sdelay $0x3  }
0xe: {  	_ =	strace s3  }
0xf: {  	_ =	strace $0x8FFFFFFF  }
0x10: {  	s20 =	sld [smem:$0x3FDB];
	_ =	sdelay $0x1  }
0x11: {  	s4 =	simm.s32 $_scs_section_size  }
0x12: {  	s5 =	simm.s32 $_size__tile_overlayer_lowered;
	s6 =	simm.s32 $_tile_overlayer_lowered  }
0x13: {  	s23 =	simm.s32 $0x1BFF;
	s22 =	sshll.u32 s6, $0x1;
	s3 =	sadd.s32 s4, s20  }
0x14: {  	s7 =	simm.s32 $0x0;
	s21 =	sshll.u32 s5, $0x1;
	s5 =	sadd.s32 s22, s3  }
0x15: {  	[timem:s7], [sflag:s23] =	dma.local [hbm:s5], s21  }
0x16: {  	_ =	swait.ge [sflag:s23], s21  }
0x17: {  	s4 =	ssub.s32 $0x0, s21;
	[sflag:s23] =	ssyncset.done $0x0  }
0x18: {  	[sflag:s23] =	ssyncadd.s32 s4;
	_ =	sdelay $0x1  }
0x19: {  	s24 =	simm.s32 $0x1B8B  }
0x1a: {  	_ =	swait.ge [sflag:s24], $0x1  }
0x1b: {  	[sflag:s24] =	ssyncset.done $0x0  }
0x1c: {  	s26 =	simm.s32 $0x1B8E;
	s25 =	sld [smem:$0x3FFE];
	[sflag:s24] =	ssyncadd.s32 $0xFFFFFFFF  }
0x1d: {  	s27 =	simm.s32 $execute0_lowered;
	[smem:$0x3FD2] =	sst s26  }
0x1e: {  	s5 =	sshll.u32 s27, $0x1;
	_ =	strace $0x80000049;
	[dreg:$0x1] =	wrdreg $0xFFFFFFFF  }
0x1f: {  	s28 =	simm.s32 $_size_execute0_lowered;
	s3 =	sadd.s32 s3, s5;
	[dreg:$0x0] =	wrdreg $0x0  }
0x20: {  	s5 =	sshll.u32 s28, $0x1;
	[dreg:$0x2] =	wrdreg s3  }
0x21: {  	[dreg:$0x3] =	wrdreg s5  }
0x22: {  	[dreg:$0x4] =	wrdreg $0xC0  }
0x23: {  	_ =	task [dreg:s7], $0x5FFFF  }
0x24: {  	[dreg:$0x1] =	wrdreg $0xFFFFFFFF  }
0x25: {  	[dreg:$0x0] =	wrdreg $0x60  }
0x26: {  	[dreg:$0x2] =	wrdreg s25  }
0x27: {  	[dreg:$0x3] =	wrdreg s2  }
0x28: {  	[dreg:$0x4] =	wrdreg $0x9  }
0x29: {  	_ =	task.clear_ibuf [dreg:s7], $0x5FFFF;
	_ =	strace $0x90000049  }
0x2a: {  	s29 =	simm.s32 $0x9;
	_ =	strace $0x8000004B  }
0x2b: {  	_ =	swait.ge [sflag:s29], $0x1  }
0x2c: {  	[sflag:s29] =	ssyncadd.s32 $0xFFFFFFFF  }
0x2d: {  	_ =	strace $0x9000004B  }
0x2e: {  	_ =	sfence  }
0x2f: {  	s30 =	sld [smem:$0x0];
	_ =	sdelay $0x2  }
0x30: {  	s31 =	sshll.u32 s1, $0xD;
	s1 =	sshrl.u32 s1, $0x2  }
0x31: {  	s3 =	sand.u32 $0x4000, s31;
	s1 =	sadd.s32 s1, s30  }
0x32: {  	s0 =	sor.u32 s3, s0;
	s1 =	sshll.u32 s1, $0x11  }
0x33: {  	s0 =	sor.u32 s1, s0  }
0x34: {  	s0 =	sadd.s32 $0x8F2B, s0  }
0x35: {  	[sflag:s0] =	ssyncadd.remote.s32 $0x1  }
0x36: {  	_ =	sfence.sel $0xFFFF  }
0x37: {  	[dreg:$0x0] =	wrdreg $0xFFFFFFFF;
	(pc) =	sbr.abs _section_cstart, $3  }
0x38: {  	[dreg:$0x1] =	wrdreg $0xFFFFFFFF  }
0x39: {  	_ =	task.clear_ibuf [dreg:s7], $0x2FFFF;
	_ =	strace $0x9FFFFFFF  }
0x3a: {  	(tm) =	ssettm $0x7FFFFFFF  }
0x3b: {  	_ =	shalt  }
tec
execute0_lowered:
.L_overlay_start_1:
0x0: {  	(tag) =	ssettag $0x1  }
0x1: {  	s0 =	stileid.u32;
	s6 =	rddreg [dreg:$0x0]  }
0x2: {  	s2 =	rddreg [dreg:$0x1];
	s5 =	srdreg.scid  }
0x3: {  	s31 =	simm.s32 $0x2;
	s13 =	simm.s32 $0x0;
	s1 =	sshll.u32 s0, $0x7  }
0x4: {  	s14 =	simm.s32 $0x0;
	s12 =	simm.s32 $0x0;
	s3 =	sand.u32 $0x380, s1  }
0x5: {  	s5 =	sshll.u32 s5, $0x4;
	s6 =	sadd.s32 $0xC00, s6;
	s4 =	ssub.s32 $0x400, s3  }
0x6: {  	s1 =	rddreg [dreg:$0x2];
	_ =	strace $0x8000004A;
	s7 =	sand.u32 $0x380, s4  }
0x7: {  	s5 =	sand.u32 $0x10, s5;
	p0 =	sne.s32 s7, $0x0;
	s7 =	simm.s32 $0x1  }
.Ltmp0:
0x8: {  	s8 =	sshrl.u32 s4, $0xA;
	s7 =	simm.s32 @!p0 $0x0;
	(pc) =	sbr.rel .LBB1_1-.Ltmp0, $4  }
0x9: {  	s9 =	sor.u32 s0, s5;
	s4 =	simm.s32 $0x1;
	s30 =	sadd.s32 s7, s8  }
0xa: {  	s11 =	smov.u32 s3;
	[sflag:s4] =	ssyncpa.u1 $0x0;
	s5 =	smul.u32 $0x32, s30  }
0xb: {  	[sflag:s31] =	ssyncpa.u1 $0x0;
	p0 =	por $0x0, $0x0;
	s7 =	sshrl.u32 s9, $0x3  }
0xc: {  	s9 =	simm.s32 $0x2000;
	s10 =	smov.u32 s7;
	s8 =	sor.u32 $0x1, s5  }
.LBB1_4:
0xd: {  	s17 =	sand.u32 $0x1F80, s14;
	s13 =	sshll.u32 s13, $0xD  }
0xe: {  	[tilespmem:s16+$0x810 ss:$0x81] =	vst.msk $0xffff, v2;
	s18 =	sshrl.u32 s14, $0x3;
	s31 =	sand.u32 $0x7, s14;
	s17 =	sadd.s32 s2, s17  }
0xf: {  	[tilespmem:s16+$0x1020 ss:$0x81] =	vst.msk $0xffff, v0;
	s18 =	sand.u32 $0xF, s18;
	s14 =	sshll.u32 s31, $0x12;
	s13 =	sadd.s32 s13, s17  }
0x10: {  	[tilespmem:s16+$0x0 ss:$0x81] =	vst.msk $0xffff, v1;
	s14 =	sor.u32 $0x400, s14;
	s13 =	sadd.s32 s18, s13  }
0x11: {  	[hbm4b:s13+s14] =	stream.strided.scatter [tilespmem:s15], [sflag:$0x2], $0x2000, s9, s14, $0x20;
	[tilespmem:$0x8080] =	vst v63  }
.LBB1_5:
0x12: {  	s15 =	sadd.s32 $0x4, s10  }
0x13: {  	s13 =	sadd.s32 $0x400, s11;
	s17 =	smov.u32 s11;
	p2 =	sgt.s32 s15, $0xC7  }
0x14: {  	s17 =	smov.u32 @p2 s13  }
0x15: {  	s15 =	smov.u32 @p2 s7;
	p2 =	sgt.s32 s17, $0x3FF  }
0x16: {  	s17 =	smov.u32 @p2 s3;
	p2 =	sne.s32 s12, s8  }
.Ltmp1:
0x17: {  	p1 =	slt.u32 s12, $0x2;
	(pc) =	sbr.rel @!p2 .LBB1_6-.Ltmp1, $4  }
0x18: {  	s16 =	simm.s32 @!p1 $0x2  }
0x19: {  	s14 =	smov.u32 s11;
	p0 =	por !p0, !p0;
	_ =	swait.ge @!p1 [sflag:s16], $0x2000  }
0x1a: {  	s13 =	smov.u32 s10;
	[sflag:s16] =	ssyncset.done @!p1 $0x0;
	s10 =	smov.u32 s15  }
0x1b: {  	s12 =	sadd.s32 $0x1, s12;
	[sflag:s16] =	ssyncadd.s32 @!p1 $0xFFFFE000;
	s11 =	smov.u32 s17  }
.LBB1_1:
0x1c: {  	p1 =	sge.u32 s12, s5  }
0x1d: {  	s15 =	sand.u32 @!p1 $0x1FFFFFF, s10  }
0x1e: {  	s16 =	smulhi.u32 @!p1 $0x147AE15, s15;
	_ =	sdelay $0x1  }
0x1f: {  	s16 =	smul.u32 @!p1 $0xC8, s16  }
0x20: {  	s17 =	sxor.u32 @!p1 $0xFFFFFFFF, s12;
	s18 =	smul.u32 @!p1 $0xC80, s11  }
0x21: {  	s31 =	sadd.s32 $0xFFFFFFFF, s12;
	s17 =	sshll.u32 @!p1 s17, $0xD;
	s15 =	ssub.s32 @!p1 s15, s16  }
0x22: {  	s16 =	sand.u32 @!p1 $0x2000, s17;
	s17 =	sadd.s32 @!p1 s6, s18;
	s15 =	sshll.u32 @!p1 s15, $0x4  }
0x23: {  	s18 =	simm.s32 @!p1 $0x6400;
	s15 =	sadd.s32 @!p1 s15, s17;
	s17 =	simm.s32 @!p1 $0x40  }
0x24: {  	[tilespmem:s16], [sflag:$0x1] =	stream.strided.gather @!p1 [hbm4b:s15+s17], $0x2000, s18, s17, $0x38;
	[tilespmem:$0x8080] =	vst v63  }
0x25: {  	p1 =	sge.u32 s31, s5  }
.Ltmp2:
0x26: {  	_ = 	snop;
	(pc) =	sbr.rel @p1 .LBB1_5-.Ltmp2, $1  }
0x27: {  	_ =	sdelay $0x3  }
0x28: {  	s15 =	simm.s32 $0x1  }
0x29: {  	_ =	swait.ge [sflag:s4], $0x2000;
	s15 =	simm.s32 @!p0 $0x0  }
0x2a: {  	[sflag:s4] =	ssyncset.done $0x0;
	s16 =	sshll.u32 s15, $0xD  }
0x2b: {  	[sflag:s4] =	ssyncadd.s32 $0xFFFFE000;
	s19 =	sor.u32 $0x20, s16  }
0x2c: {  	s15 =	smul.u32 $0x8100, s15;
	v3 =	vld [tilespmem:s19+$0x10]  }
0x2d: {  	s30 =	sand.u32 $0x1, s12;
	v2 =	vld [tilespmem:s19+$0xFFFFFFF0]  }
0x2e: {  	s16 =	smul.u32 $0x8100, s30;
	s15 =	sshrl.u32 s15, $0x2;
	v0 =	vld [tilespmem:s19+$0x0]  }
0x2f: {  	v1 =	vld [tilespmem:s19+$0xFFFFFFE0];
	s17 =	sor.u32 $0x4000, s15  }
0x30: {  	s31 =	sshrl.u32 s16, $0x2;
	s16 =	sadd.s32 $0x0, s17  }
0x31: {  	s18 =	simm.s32 $0x4;
	s19 =	sadd.s32 $0x40, s19;
	s15 =	sor.u32 $0x4000, s31;
	[tilespmem:s16+$0x1830 ss:$0x81] =	vst.msk $0xffff, v3  }
.LBB1_3:
0x32: {  	v3 =	vld [tilespmem:s19+$0x10];
	p1 =	sne.s32 s18, $0x1FC;
	[tilespmem:s16+$0x810 ss:$0x81] =	vst.msk $0xffff, v2;
	s20 =	smov.u32 s18;
	s18 =	sadd.s32 $0x4, s18  }
.Ltmp3:
0x33: {  	v2 =	vld [tilespmem:s19+$0xFFFFFFF0];
	[tilespmem:s16+$0x1020 ss:$0x81] =	vst.msk $0xffff, v0;
	(pc) =	sbr.rel @p1 .LBB1_3-.Ltmp3, $4  }
0x34: {  	v0 =	vld [tilespmem:s19+$0x0];
	[tilespmem:s16+$0x0 ss:$0x81] =	vst.msk $0xffff, v1  }
0x35: {  	s16 =	sshra.s32 s20, $0x2;
	v1 =	vld [tilespmem:s19+$0xFFFFFFE0]  }
0x36: {  	s16 =	sadd.s32 s16, s17  }
0x37: {  	s19 =	sadd.s32 $0x40, s19;
	[tilespmem:s16+$0x1830 ss:$0x81] =	vst.msk $0xffff, v3  }
.Ltmp4:
0x38: {  	_ = 	snop;
	(pc) =	sbr.rel .LBB1_4-.Ltmp4, $1  }
0x39: {  	_ =	sdelay $0x3  }
.LBB1_6:
0x3a: {  	_ =	sfence.sel $0x180000  }
0x3b: {  	s2 =	simm.s32 $0x1;
	[bflag:$0x0] =	sbarrier.arrive $0xFFFF  }
0x3c: {  	s31 =	simm.s32 $0x2;
	[sflag:s2] =	ssyncpa.u1 $0x1  }
0x3d: {  	[sflag:s31] =	ssyncpa.u1 $0x1  }
0x3e: {  	p0 =	sne.s32 s0, $0x0;
	_ =	strace $0x9000004A  }
0x3f: {  	s0 =	sadd.s32 @!p0 $0x100000, s1;
	[bflag:$0x2] =	sbarrier.arrive $0xFFFF  }
0x40: {  	[sflag:s0] =	ssyncadd.tile.s32 @!p0 $0x1;
	_ =	shalt  }
.Lfunc_end1:
_tile_overlayer_lowered:
.L_overlay_start_2:
0x41: {  	(tag) =	ssettag $0x2  }
0x42: {  	s0 =	rddreg [dreg:$0x0];
	s2 =	stileid.u32  }
0x43: {  	s1 =	rddreg [dreg:$0x1];
	p0 =	sne.s32 s2, $0x0  }
0x44: {  	s3 =	rddreg [dreg:$0x2];
	[bflag:$0x3] =	sbarrier.arrive $0xFFFF;
	s2 =	simm.s32 @!p0 $0x1C01  }
0x45: {  	[timem:s3], [sflag:s2] =	dma.local @!p0 [hbm:s0], s1  }
0x46: {  	s0 =	simm.s32 @!p0 $0x1  }
0x47: {  	_ =	swait.ge @!p0 [sflag:s0], s1  }
0x48: {  	s1 =	ssub.s32 @!p0 $0x0, s1;
	[sflag:s0] =	ssyncset.done @!p0 $0x0  }
0x49: {  	[sflag:s0] =	ssyncadd.s32 @!p0 s1  }
0x4a: {  	[bflag:$0x3] =	sbarrier.arrive $0xFFFF  }
0x4b: {  	_ =	shalt  }

</sc_bundles>
